<compile_context>
chip_gen: v7x
topology: tpu7x:2x2x1
jax: 0.10.2.dev20260603
libtpu: 0.0.44.dev20260713+nightly
codegen_flags: <defaults>
</compile_context>

<pallas_src>
import jax
import jax.numpy as jnp
from jax.experimental import pallas as pl
from jax.experimental.pallas import tpu as pltpu

_B, _H, _W = 32, 56, 56
_NP, _E, _O = 4, 64, 256
_HW = _H * _W
_R = (_O * _HW) // 128


def _period_kernel(labels_ref, emb_ref, w_ref, b_ref, out_ref, tiles_ref,
                   sems):
    feats = jax.lax.dot_general(
        w_ref[:], emb_ref[:], (((1,), (1,)), ((), ())),
        preferred_element_type=jnp.float32) + b_ref[:]

    r_i = jax.lax.broadcasted_iota(jnp.int32, (_R, _O), 0)
    c_i = jax.lax.broadcasted_iota(jnp.int32, (_R, _O), 1)
    cs = jax.lax.shift_right_logical(2 * r_i * 21400, 20)
    s0 = (cs == c_i).astype(jnp.float32)
    s1 = (cs + 1 == c_i).astype(jnp.float32)
    g0 = jnp.dot(s0, feats, preferred_element_type=jnp.float32)
    g1 = jnp.dot(s1, feats, preferred_element_type=jnp.float32)

    rl_i = jax.lax.broadcasted_iota(jnp.int32, (_R, 128), 0)
    l_i = jax.lax.broadcasted_iota(jnp.int32, (_R, 128), 1)
    csl = jax.lax.shift_right_logical(2 * rl_i * 21400, 20)
    in_first = 128 * rl_i + l_i < _HW * (csl + 1)
    for p in range(_NP):
        tiles_ref[p] = jnp.where(in_first, g0[:, p, None], g1[:, p, None])

    for b in range(_B):
        lab = labels_ref[b]
        pltpu.make_async_copy(
            tiles_ref.at[lab], out_ref.at[b], sems.at[b]).start()
    for b in range(_B):
        lab = labels_ref[b]
        pltpu.make_async_copy(
            tiles_ref.at[lab], out_ref.at[b], sems.at[b]).wait()


def kernel(period_labels, spatial_size, emb_table, fc_w, fc_b):
    fcb2d = fc_b.reshape(_O, 1)
    grid_spec = pltpu.PrefetchScalarGridSpec(
        num_scalar_prefetch=1,
        grid=(1,),
        in_specs=[
            pl.BlockSpec((_NP, _E), lambda i, s: (0, 0)),
            pl.BlockSpec((_O, _E), lambda i, s: (0, 0)),
            pl.BlockSpec((_O, 1), lambda i, s: (0, 0)),
        ],
        out_specs=pl.BlockSpec(memory_space=pl.ANY),
        scratch_shapes=[
            pltpu.VMEM((_NP, _R, 128), jnp.float32),
            pltpu.SemaphoreType.DMA((_B,)),
        ],
    )
    out = pl.pallas_call(
        _period_kernel,
        grid_spec=grid_spec,
        out_shape=jax.ShapeDtypeStruct((_B, _R, 128), jnp.float32),
    )(period_labels.astype(jnp.int32), emb_table, fc_w, fcb2d)
    return out.reshape(_B, _O, _H, _W)

# --- scband reference (transcript-rebuilt; emitter-appended) ---
"""Pipeline reference for scband-period-embedding-43748536877538 (READ-ONLY COPY).

The authoritative reference and input builder live on the scoring server;
editing this copy changes nothing except your own understanding.
"""

import jax, jax.numpy as jnp
import numpy as np

B = 32
H = 56
W = 56
NUM_PERIODS = 4
EMB_DIM = 64
OUT_DIM = 256

def setup_inputs(seed: int = 0) -> dict:
    key = jax.random.key(seed)
    k1, k2, k3, k4 = jax.random.split(key, 4)
    period_labels = jax.random.randint(k1, (B,), 0, NUM_PERIODS, dtype=jnp.int32)
    spatial_size = np.array([H, W], dtype=np.int64)
    # learned parameters
    emb_table = jax.random.normal(k2, (NUM_PERIODS, EMB_DIM), dtype=jnp.float32)
    fc_w = jax.random.normal(k3, (OUT_DIM, EMB_DIM), dtype=jnp.float32) * (1.0 / np.sqrt(EMB_DIM))
    fc_b = jax.random.normal(k4, (OUT_DIM,), dtype=jnp.float32) * 0.01
    return {"period_labels": period_labels, "spatial_size": spatial_size, "emb_table": emb_table, "fc_w": fc_w, "fc_b": fc_b}

def reference(period_labels, spatial_size, emb_table, fc_w, fc_b):
    h = H
    w = W
    # embedding lookup: [B] -> [B, EMB_DIM]
    period_emb = jnp.take(emb_table, period_labels, axis=0)
    # linear: [B, EMB_DIM] -> [B, OUT_DIM]
    period_features = period_emb @ fc_w.T + fc_b
    # expand to spatial map: [B, OUT_DIM, H, W]
    period_features = period_features[:, :, None, None]
    period_features = jnp.broadcast_to(period_features, (period_features.shape[0], period_features.shape[1], h, w))
    zero = (spatial_size[0] * 0 + spatial_size[1] * 0).astype(period_features.dtype)
    return period_features + zero

if __name__ == "__main__":
    import jax
    _d = setup_inputs()
    print(jax.jit(kernel)(*tuple(_d.values())))

</pallas_src>

<mosaic_0001>
module attributes {stable_mosaic.version = 14 : i64} {
  func.func @_period_kernel(%arg0: i32, %arg1: memref<32xi32, #tpu.memory_space<smem>>, %arg2: memref<4x64xf32, #tpu.memory_space<vmem>>, %arg3: memref<256x64xf32, #tpu.memory_space<vmem>>, %arg4: memref<256x1xf32, #tpu.memory_space<vmem>>, %arg5: memref<32x6272x128xf32, #tpu.memory_space<any>>, %arg6: memref<4x6272x128xf32, #tpu.memory_space<vmem>>, %arg7: memref<32x!tpu.dma_semaphore, #tpu.memory_space<semaphore_mem>>) attributes {dimension_semantics = [#tpu.dimension_semantics<arbitrary>], iteration_bounds = array<i64: 1>, scalar_prefetch = 1 : i64, scratch_operands = 2 : i64, tpu.core_type = #tpu.core_type<tc>, window_params = [{pipeline_mode = #tpu.pipeline_mode<synchronous>, transform_indices = @transform_0, window_bounds = array<i64: 4, 64>}, {pipeline_mode = #tpu.pipeline_mode<synchronous>, transform_indices = @transform_1, window_bounds = array<i64: 256, 64>}, {pipeline_mode = #tpu.pipeline_mode<synchronous>, transform_indices = @transform_2, window_bounds = array<i64: 256, 1>}, {}]} {
    %get3A = arith.constant 0 : index
    %get3A_0 = arith.constant 0 : index
    %get3A_1 = vector.load %arg3[%get3A, %get3A_0] : memref<256x64xf32, #tpu.memory_space<vmem>>, vector<256x64xf32>
    %get3A_2 = arith.constant 0 : index
    %get3A_3 = arith.constant 0 : index
    %get3A_4 = vector.load %arg2[%get3A_2, %get3A_3] : memref<4x64xf32, #tpu.memory_space<vmem>>, vector<4x64xf32>
    %dot_general3A = arith.constant dense<0.000000e+00> : vector<256x4xf32>
    %dot_general3A_5 = tpu.matmul %get3A_1, %get3A_4, %dot_general3A {dimension_numbers = #tpu.dot_dimension_numbers<[1], [1], [0], [0], [0, 0, 1, 0], [], []>, transpose_lhs_hint = false} : vector<256x64xf32>, vector<4x64xf32>, vector<256x4xf32> -> vector<256x4xf32>
    %get3A_6 = arith.constant 0 : index
    %get3A_7 = arith.constant 0 : index
    %get3A_8 = vector.load %arg4[%get3A_6, %get3A_7] : memref<256x1xf32, #tpu.memory_space<vmem>>, vector<256x1xf32>
    %add3A = vector.broadcast %get3A_8 : vector<256x1xf32> to vector<256x4xf32>
    %add3A_9 = arith.addf %dot_general3A_5, %add3A : vector<256x4xf32>
    %iota3A = tpu.iota {dimensions = array<i32: 0>} : vector<6272x256xi32>
    %iota3A_10 = tpu.iota {dimensions = array<i32: 1>} : vector<6272x256xi32>
    %mul3A = arith.constant 2 : i32
    %mul3A_11 = vector.broadcast %mul3A : i32 to vector<6272x256xi32>
    %mul3A_12 = arith.muli %mul3A_11, %iota3A : vector<6272x256xi32>
    %mul3A_13 = arith.constant 21400 : i32
    %mul3A_14 = vector.broadcast %mul3A_13 : i32 to vector<6272x256xi32>
    %mul3A_15 = arith.muli %mul3A_12, %mul3A_14 : vector<6272x256xi32>
    %shift_right_logical3A = arith.constant 20 : i32
    %shift_right_logical3A_16 = vector.broadcast %shift_right_logical3A : i32 to vector<6272x256xi32>
    %shift_right_logical3A_17 = arith.shrui %mul3A_15, %shift_right_logical3A_16 : vector<6272x256xi32>
    %eq3A = arith.cmpi eq, %shift_right_logical3A_17, %iota3A_10 : vector<6272x256xi32>
    %convert_element_type3A = arith.extui %eq3A : vector<6272x256xi1> to vector<6272x256xi32>
    %convert_element_type3A_18 = arith.sitofp %convert_element_type3A : vector<6272x256xi32> to vector<6272x256xf32>
    %add3A_19 = arith.constant 1 : i32
    %add3A_20 = vector.broadcast %add3A_19 : i32 to vector<6272x256xi32>
    %add3A_21 = arith.addi %shift_right_logical3A_17, %add3A_20 : vector<6272x256xi32>
    %eq3A_22 = arith.cmpi eq, %add3A_21, %iota3A_10 : vector<6272x256xi32>
    %convert_element_type3A_23 = arith.extui %eq3A_22 : vector<6272x256xi1> to vector<6272x256xi32>
    %convert_element_type3A_24 = arith.sitofp %convert_element_type3A_23 : vector<6272x256xi32> to vector<6272x256xf32>
    %dot_general3A_25 = arith.constant dense<0.000000e+00> : vector<6272x4xf32>
    %dot_general3A_26 = tpu.matmul %convert_element_type3A_18, %add3A_9, %dot_general3A_25 {dimension_numbers = #tpu.dot_dimension_numbers<[1], [0], [0], [1], [0, 0, 1, 1], [], []>, transpose_lhs_hint = false} : vector<6272x256xf32>, vector<256x4xf32>, vector<6272x4xf32> -> vector<6272x4xf32>
    %dot_general3A_27 = arith.constant dense<0.000000e+00> : vector<6272x4xf32>
    %dot_general3A_28 = tpu.matmul %convert_element_type3A_24, %add3A_9, %dot_general3A_27 {dimension_numbers = #tpu.dot_dimension_numbers<[1], [0], [0], [1], [0, 0, 1, 1], [], []>, transpose_lhs_hint = false} : vector<6272x256xf32>, vector<256x4xf32>, vector<6272x4xf32> -> vector<6272x4xf32>
    %iota3A_29 = tpu.iota {dimensions = array<i32: 0>} : vector<6272x128xi32>
    %iota3A_30 = tpu.iota {dimensions = array<i32: 1>} : vector<6272x128xi32>
    %mul3A_31 = arith.constant 2 : i32
    %mul3A_32 = vector.broadcast %mul3A_31 : i32 to vector<6272x128xi32>
    %mul3A_33 = arith.muli %mul3A_32, %iota3A_29 : vector<6272x128xi32>
    %mul3A_34 = arith.constant 21400 : i32
    %mul3A_35 = vector.broadcast %mul3A_34 : i32 to vector<6272x128xi32>
    %mul3A_36 = arith.muli %mul3A_33, %mul3A_35 : vector<6272x128xi32>
    %shift_right_logical3A_37 = arith.constant 20 : i32
    %shift_right_logical3A_38 = vector.broadcast %shift_right_logical3A_37 : i32 to vector<6272x128xi32>
    %shift_right_logical3A_39 = arith.shrui %mul3A_36, %shift_right_logical3A_38 : vector<6272x128xi32>
    %mul3A_40 = arith.constant 128 : i32
    %mul3A_41 = vector.broadcast %mul3A_40 : i32 to vector<6272x128xi32>
    %mul3A_42 = arith.muli %mul3A_41, %iota3A_29 : vector<6272x128xi32>
    %add3A_43 = arith.addi %mul3A_42, %iota3A_30 : vector<6272x128xi32>
    %add3A_44 = arith.constant 1 : i32
    %add3A_45 = vector.broadcast %add3A_44 : i32 to vector<6272x128xi32>
    %add3A_46 = arith.addi %shift_right_logical3A_39, %add3A_45 : vector<6272x128xi32>
    %mul3A_47 = arith.constant 3136 : i32
    %mul3A_48 = vector.broadcast %mul3A_47 : i32 to vector<6272x128xi32>
    %mul3A_49 = arith.muli %mul3A_48, %add3A_46 : vector<6272x128xi32>
    %lt3A = arith.cmpi slt, %add3A_43, %mul3A_49 : vector<6272x128xi32>
    %slice3A = vector.extract_strided_slice %dot_general3A_26 {offsets = [0, 0], sizes = [6272, 1], strides = [1, 1]} : vector<6272x4xf32> to vector<6272x1xf32>
    %squeeze3A = vector.shape_cast %slice3A : vector<6272x1xf32> to vector<6272xf32>
    %broadcast_in_dim3A = vector.shape_cast %squeeze3A : vector<6272xf32> to vector<6272x1xf32>
    %slice3A_50 = vector.extract_strided_slice %dot_general3A_28 {offsets = [0, 0], sizes = [6272, 1], strides = [1, 1]} : vector<6272x4xf32> to vector<6272x1xf32>
    %squeeze3A_51 = vector.shape_cast %slice3A_50 : vector<6272x1xf32> to vector<6272xf32>
    %broadcast_in_dim3A_52 = vector.shape_cast %squeeze3A_51 : vector<6272xf32> to vector<6272x1xf32>
    %broadcast_in_dim3A_53 = vector.shape_cast %broadcast_in_dim3A : vector<6272x1xf32> to vector<6272x1xf32>
    %broadcast_in_dim3A_54 = vector.broadcast %broadcast_in_dim3A_53 : vector<6272x1xf32> to vector<6272x128xf32>
    %broadcast_in_dim3A_55 = vector.shape_cast %broadcast_in_dim3A_52 : vector<6272x1xf32> to vector<6272x1xf32>
    %broadcast_in_dim3A_56 = vector.broadcast %broadcast_in_dim3A_55 : vector<6272x1xf32> to vector<6272x128xf32>
    %select_n3A = arith.select %lt3A, %broadcast_in_dim3A_54, %broadcast_in_dim3A_56 : vector<6272x128xi1>, vector<6272x128xf32>
    %swap3A = arith.constant 0 : index
    %swap3A_57 = arith.constant 0 : index
    %swap3A_58 = arith.constant 0 : index
    %swap3A_59 = vector.load %arg6[%swap3A, %swap3A_57, %swap3A_58] : memref<4x6272x128xf32, #tpu.memory_space<vmem>>, vector<1x6272x128xf32>
    %swap3A_60 = vector.shape_cast %swap3A_59 : vector<1x6272x128xf32> to vector<6272x128xf32>
    %swap3A_61 = vector.shape_cast %select_n3A : vector<6272x128xf32> to vector<1x6272x128xf32>
    tpu.vector_store %arg6[%swap3A, %swap3A_57, %swap3A_58], %swap3A_61 {strides = array<i32>} : memref<4x6272x128xf32, #tpu.memory_space<vmem>>, vector<1x6272x128xf32>,
    %slice3A_62 = vector.extract_strided_slice %dot_general3A_26 {offsets = [0, 1], sizes = [6272, 1], strides = [1, 1]} : vector<6272x4xf32> to vector<6272x1xf32>
    %squeeze3A_63 = vector.shape_cast %slice3A_62 : vector<6272x1xf32> to vector<6272xf32>
    %broadcast_in_dim3A_64 = vector.shape_cast %squeeze3A_63 : vector<6272xf32> to vector<6272x1xf32>
    %slice3A_65 = vector.extract_strided_slice %dot_general3A_28 {offsets = [0, 1], sizes = [6272, 1], strides = [1, 1]} : vector<6272x4xf32> to vector<6272x1xf32>
    %squeeze3A_66 = vector.shape_cast %slice3A_65 : vector<6272x1xf32> to vector<6272xf32>
    %broadcast_in_dim3A_67 = vector.shape_cast %squeeze3A_66 : vector<6272xf32> to vector<6272x1xf32>
    %broadcast_in_dim3A_68 = vector.shape_cast %broadcast_in_dim3A_64 : vector<6272x1xf32> to vector<6272x1xf32>
    %broadcast_in_dim3A_69 = vector.broadcast %broadcast_in_dim3A_68 : vector<6272x1xf32> to vector<6272x128xf32>
    %broadcast_in_dim3A_70 = vector.shape_cast %broadcast_in_dim3A_67 : vector<6272x1xf32> to vector<6272x1xf32>
    %broadcast_in_dim3A_71 = vector.broadcast %broadcast_in_dim3A_70 : vector<6272x1xf32> to vector<6272x128xf32>
    %select_n3A_72 = arith.select %lt3A, %broadcast_in_dim3A_69, %broadcast_in_dim3A_71 : vector<6272x128xi1>, vector<6272x128xf32>
    %swap3A_73 = arith.constant 1 : index
    %swap3A_74 = arith.constant 0 : index
    %swap3A_75 = arith.constant 0 : index
    %swap3A_76 = vector.load %arg6[%swap3A_73, %swap3A_74, %swap3A_75] : memref<4x6272x128xf32, #tpu.memory_space<vmem>>, vector<1x6272x128xf32>
    %swap3A_77 = vector.shape_cast %swap3A_76 : vector<1x6272x128xf32> to vector<6272x128xf32>
    %swap3A_78 = vector.shape_cast %select_n3A_72 : vector<6272x128xf32> to vector<1x6272x128xf32>
    tpu.vector_store %arg6[%swap3A_73, %swap3A_74, %swap3A_75], %swap3A_78 {strides = array<i32>} : memref<4x6272x128xf32, #tpu.memory_space<vmem>>, vector<1x6272x128xf32>,
    %slice3A_79 = vector.extract_strided_slice %dot_general3A_26 {offsets = [0, 2], sizes = [6272, 1], strides = [1, 1]} : vector<6272x4xf32> to vector<6272x1xf32>
    %squeeze3A_80 = vector.shape_cast %slice3A_79 : vector<6272x1xf32> to vector<6272xf32>
    %broadcast_in_dim3A_81 = vector.shape_cast %squeeze3A_80 : vector<6272xf32> to vector<6272x1xf32>
    %slice3A_82 = vector.extract_strided_slice %dot_general3A_28 {offsets = [0, 2], sizes = [6272, 1], strides = [1, 1]} : vector<6272x4xf32> to vector<6272x1xf32>
    %squeeze3A_83 = vector.shape_cast %slice3A_82 : vector<6272x1xf32> to vector<6272xf32>
    %broadcast_in_dim3A_84 = vector.shape_cast %squeeze3A_83 : vector<6272xf32> to vector<6272x1xf32>
    %broadcast_in_dim3A_85 = vector.shape_cast %broadcast_in_dim3A_81 : vector<6272x1xf32> to vector<6272x1xf32>
    %broadcast_in_dim3A_86 = vector.broadcast %broadcast_in_dim3A_85 : vector<6272x1xf32> to vector<6272x128xf32>
    %broadcast_in_dim3A_87 = vector.shape_cast %broadcast_in_dim3A_84 : vector<6272x1xf32> to vector<6272x1xf32>
    %broadcast_in_dim3A_88 = vector.broadcast %broadcast_in_dim3A_87 : vector<6272x1xf32> to vector<6272x128xf32>
    %select_n3A_89 = arith.select %lt3A, %broadcast_in_dim3A_86, %broadcast_in_dim3A_88 : vector<6272x128xi1>, vector<6272x128xf32>
    %swap3A_90 = arith.constant 2 : index
    %swap3A_91 = arith.constant 0 : index
    %swap3A_92 = arith.constant 0 : index
    %swap3A_93 = vector.load %arg6[%swap3A_90, %swap3A_91, %swap3A_92] : memref<4x6272x128xf32, #tpu.memory_space<vmem>>, vector<1x6272x128xf32>
    %swap3A_94 = vector.shape_cast %swap3A_93 : vector<1x6272x128xf32> to vector<6272x128xf32>
    %swap3A_95 = vector.shape_cast %select_n3A_89 : vector<6272x128xf32> to vector<1x6272x128xf32>
    tpu.vector_store %arg6[%swap3A_90, %swap3A_91, %swap3A_92], %swap3A_95 {strides = array<i32>} : memref<4x6272x128xf32, #tpu.memory_space<vmem>>, vector<1x6272x128xf32>,
    %slice3A_96 = vector.extract_strided_slice %dot_general3A_26 {offsets = [0, 3], sizes = [6272, 1], strides = [1, 1]} : vector<6272x4xf32> to vector<6272x1xf32>
    %squeeze3A_97 = vector.shape_cast %slice3A_96 : vector<6272x1xf32> to vector<6272xf32>
    %broadcast_in_dim3A_98 = vector.shape_cast %squeeze3A_97 : vector<6272xf32> to vector<6272x1xf32>
    %slice3A_99 = vector.extract_strided_slice %dot_general3A_28 {offsets = [0, 3], sizes = [6272, 1], strides = [1, 1]} : vector<6272x4xf32> to vector<6272x1xf32>
    %squeeze3A_100 = vector.shape_cast %slice3A_99 : vector<6272x1xf32> to vector<6272xf32>
    %broadcast_in_dim3A_101 = vector.shape_cast %squeeze3A_100 : vector<6272xf32> to vector<6272x1xf32>
    %broadcast_in_dim3A_102 = vector.shape_cast %broadcast_in_dim3A_98 : vector<6272x1xf32> to vector<6272x1xf32>
    %broadcast_in_dim3A_103 = vector.broadcast %broadcast_in_dim3A_102 : vector<6272x1xf32> to vector<6272x128xf32>
    %broadcast_in_dim3A_104 = vector.shape_cast %broadcast_in_dim3A_101 : vector<6272x1xf32> to vector<6272x1xf32>
    %broadcast_in_dim3A_105 = vector.broadcast %broadcast_in_dim3A_104 : vector<6272x1xf32> to vector<6272x128xf32>
    %select_n3A_106 = arith.select %lt3A, %broadcast_in_dim3A_103, %broadcast_in_dim3A_105 : vector<6272x128xi1>, vector<6272x128xf32>
    %swap3A_107 = arith.constant 3 : index
    %swap3A_108 = arith.constant 0 : index
    %swap3A_109 = arith.constant 0 : index
    %swap3A_110 = vector.load %arg6[%swap3A_107, %swap3A_108, %swap3A_109] : memref<4x6272x128xf32, #tpu.memory_space<vmem>>, vector<1x6272x128xf32>
    %swap3A_111 = vector.shape_cast %swap3A_110 : vector<1x6272x128xf32> to vector<6272x128xf32>
    %swap3A_112 = vector.shape_cast %select_n3A_106 : vector<6272x128xf32> to vector<1x6272x128xf32>
    tpu.vector_store %arg6[%swap3A_107, %swap3A_108, %swap3A_109], %swap3A_112 {strides = array<i32>} : memref<4x6272x128xf32, #tpu.memory_space<vmem>>, vector<1x6272x128xf32>,
    %get3A_113 = arith.constant 0 : index
    %get3A_114 = memref.load %arg1[%get3A_113] : memref<32xi32, #tpu.memory_space<smem>>
    %dma_start3A = arith.constant 0 : i32
    %dma_start3A_115 = arith.constant 0 : i32
    %dma_start3A_116 = tpu.memref_slice %arg7[%dma_start3A_115] : memref<32x!tpu.dma_semaphore, #tpu.memory_space<semaphore_mem>> -> memref<1x!tpu.dma_semaphore, #tpu.memory_space<semaphore_mem>>
    %dma_start3A_117 = tpu.memref_squeeze %dma_start3A_116 : memref<1x!tpu.dma_semaphore, #tpu.memory_space<semaphore_mem>> -> memref<!tpu.dma_semaphore, #tpu.memory_space<semaphore_mem>>
    %dma_start3A_118 = arith.constant 0 : i32
    %dma_start3A_119 = arith.constant 0 : i32
    %dma_start3A_120 = tpu.memref_slice %arg5[%dma_start3A, %dma_start3A_118, %dma_start3A_119] : memref<32x6272x128xf32, #tpu.memory_space<any>> -> memref<1x6272x128xf32, #tpu.memory_space<any>>
    %dma_start3A_121 = tpu.memref_squeeze %dma_start3A_120 : memref<1x6272x128xf32, #tpu.memory_space<any>> -> memref<6272x128xf32, #tpu.memory_space<any>>
    %dma_start3A_122 = arith.constant 0 : i32
    %dma_start3A_123 = arith.constant 0 : i32
    %dma_start3A_124 = tpu.memref_slice %arg6[%get3A_114, %dma_start3A_122, %dma_start3A_123] : memref<4x6272x128xf32, #tpu.memory_space<vmem>> -> memref<1x6272x128xf32, #tpu.memory_space<vmem>>
    %dma_start3A_125 = tpu.memref_squeeze %dma_start3A_124 : memref<1x6272x128xf32, #tpu.memory_space<vmem>> -> memref<6272x128xf32, #tpu.memory_space<vmem>>
    tpu.enqueue_dma source(%dma_start3A_125 : memref<6272x128xf32, #tpu.memory_space<vmem>>) target(%dma_start3A_121 : memref<6272x128xf32, #tpu.memory_space<any>>) target_semaphore(%dma_start3A_117 : memref<!tpu.dma_semaphore, #tpu.memory_space<semaphore_mem>>)
    %get3A_126 = arith.constant 1 : index
    %get3A_127 = memref.load %arg1[%get3A_126] : memref<32xi32, #tpu.memory_space<smem>>
    %dma_start3A_128 = arith.constant 1 : i32
    %dma_start3A_129 = arith.constant 1 : i32
    %dma_start3A_130 = tpu.memref_slice %arg7[%dma_start3A_129] : memref<32x!tpu.dma_semaphore, #tpu.memory_space<semaphore_mem>> -> memref<1x!tpu.dma_semaphore, #tpu.memory_space<semaphore_mem>>
    %dma_start3A_131 = tpu.memref_squeeze %dma_start3A_130 : memref<1x!tpu.dma_semaphore, #tpu.memory_space<semaphore_mem>> -> memref<!tpu.dma_semaphore, #tpu.memory_space<semaphore_mem>>
    %dma_start3A_132 = arith.constant 0 : i32
    %dma_start3A_133 = arith.constant 0 : i32
    %dma_start3A_134 = tpu.memref_slice %arg5[%dma_start3A_128, %dma_start3A_132, %dma_start3A_133] : memref<32x6272x128xf32, #tpu.memory_space<any>> -> memref<1x6272x128xf32, #tpu.memory_space<any>>
    %dma_start3A_135 = tpu.memref_squeeze %dma_start3A_134 : memref<1x6272x128xf32, #tpu.memory_space<any>> -> memref<6272x128xf32, #tpu.memory_space<any>>
    %dma_start3A_136 = arith.constant 0 : i32
    %dma_start3A_137 = arith.constant 0 : i32
    %dma_start3A_138 = tpu.memref_slice %arg6[%get3A_127, %dma_start3A_136, %dma_start3A_137] : memref<4x6272x128xf32, #tpu.memory_space<vmem>> -> memref<1x6272x128xf32, #tpu.memory_space<vmem>>
    %dma_start3A_139 = tpu.memref_squeeze %dma_start3A_138 : memref<1x6272x128xf32, #tpu.memory_space<vmem>> -> memref<6272x128xf32, #tpu.memory_space<vmem>>
    tpu.enqueue_dma source(%dma_start3A_139 : memref<6272x128xf32, #tpu.memory_space<vmem>>) target(%dma_start3A_135 : memref<6272x128xf32, #tpu.memory_space<any>>) target_semaphore(%dma_start3A_131 : memref<!tpu.dma_semaphore, #tpu.memory_space<semaphore_mem>>)
    %get3A_140 = arith.constant 2 : index
    %get3A_141 = memref.load %arg1[%get3A_140] : memref<32xi32, #tpu.memory_space<smem>>
    %dma_start3A_142 = arith.constant 2 : i32
    %dma_start3A_143 = arith.constant 2 : i32
    %dma_start3A_144 = tpu.memref_slice %arg7[%dma_start3A_143] : memref<32x!tpu.dma_semaphore, #tpu.memory_space<semaphore_mem>> -> memref<1x!tpu.dma_semaphore, #tpu.memory_space<semaphore_mem>>
    %dma_start3A_145 = tpu.memref_squeeze %dma_start3A_144 : memref<1x!tpu.dma_semaphore, #tpu.memory_space<semaphore_mem>> -> memref<!tpu.dma_semaphore, #tpu.memory_space<semaphore_mem>>
    %dma_start3A_146 = arith.constant 0 : i32
    %dma_start3A_147 = arith.constant 0 : i32
    %dma_start3A_148 = tpu.memref_slice %arg5[%dma_start3A_142, %dma_start3A_146, %dma_start3A_147] : memref<32x6272x128xf32, #tpu.memory_space<any>> -> memref<1x6272x128xf32, #tpu.memory_space<any>>
    %dma_start3A_149 = tpu.memref_squeeze %dma_start3A_148 : memref<1x6272x128xf32, #tpu.memory_space<any>> -> memref<6272x128xf32, #tpu.memory_space<any>>
    %dma_start3A_150 = arith.constant 0 : i32
    %dma_start3A_151 = arith.constant 0 : i32
    %dma_start3A_152 = tpu.memref_slice %arg6[%get3A_141, %dma_start3A_150, %dma_start3A_151] : memref<4x6272x128xf32, #tpu.memory_space<vmem>> -> memref<1x6272x128xf32, #tpu.memory_space<vmem>>
    %dma_start3A_153 = tpu.memref_squeeze %dma_start3A_152 : memref<1x6272x128xf32, #tpu.memory_space<vmem>> -> memref<6272x128xf32, #tpu.memory_space<vmem>>
    tpu.enqueue_dma source(%dma_start3A_153 : memref<6272x128xf32, #tpu.memory_space<vmem>>) target(%dma_start3A_149 : memref<6272x128xf32, #tpu.memory_space<any>>) target_semaphore(%dma_start3A_145 : memref<!tpu.dma_semaphore, #tpu.memory_space<semaphore_mem>>)
    %get3A_154 = arith.constant 3 : index
    %get3A_155 = memref.load %arg1[%get3A_154] : memref<32xi32, #tpu.memory_space<smem>>
    %dma_start3A_156 = arith.constant 3 : i32
    %dma_start3A_157 = arith.constant 3 : i32
    %dma_start3A_158 = tpu.memref_slice %arg7[%dma_start3A_157] : memref<32x!tpu.dma_semaphore, #tpu.memory_space<semaphore_mem>> -> memref<1x!tpu.dma_semaphore, #tpu.memory_space<semaphore_mem>>
    %dma_start3A_159 = tpu.memref_squeeze %dma_start3A_158 : memref<1x!tpu.dma_semaphore, #tpu.memory_space<semaphore_mem>> -> memref<!tpu.dma_semaphore, #tpu.memory_space<semaphore_mem>>
    %dma_start3A_160 = arith.constant 0 : i32
    %dma_start3A_161 = arith.constant 0 : i32
    %dma_start3A_162 = tpu.memref_slice %arg5[%dma_start3A_156, %dma_start3A_160, %dma_start3A_161] : memref<32x6272x128xf32, #tpu.memory_space<any>> -> memref<1x6272x128xf32, #tpu.memory_space<any>>
    %dma_start3A_163 = tpu.memref_squeeze %dma_start3A_162 : memref<1x6272x128xf32, #tpu.memory_space<any>> -> memref<6272x128xf32, #tpu.memory_space<any>>
    %dma_start3A_164 = arith.constant 0 : i32
    %dma_start3A_165 = arith.constant 0 : i32
    %dma_start3A_166 = tpu.memref_slice %arg6[%get3A_155, %dma_start3A_164, %dma_start3A_165] : memref<4x6272x128xf32, #tpu.memory_space<vmem>> -> memref<1x6272x128xf32, #tpu.memory_space<vmem>>
    %dma_start3A_167 = tpu.memref_squeeze %dma_start3A_166 : memref<1x6272x128xf32, #tpu.memory_space<vmem>> -> memref<6272x128xf32, #tpu.memory_space<vmem>>
    tpu.enqueue_dma source(%dma_start3A_167 : memref<6272x128xf32, #tpu.memory_space<vmem>>) target(%dma_start3A_163 : memref<6272x128xf32, #tpu.memory_space<any>>) target_semaphore(%dma_start3A_159 : memref<!tpu.dma_semaphore, #tpu.memory_space<semaphore_mem>>)
    %get3A_168 = arith.constant 4 : index
    %get3A_169 = memref.load %arg1[%get3A_168] : memref<32xi32, #tpu.memory_space<smem>>
    %dma_start3A_170 = arith.constant 4 : i32
    %dma_start3A_171 = arith.constant 4 : i32
    %dma_start3A_172 = tpu.memref_slice %arg7[%dma_start3A_171] : memref<32x!tpu.dma_semaphore, #tpu.memory_space<semaphore_mem>> -> memref<1x!tpu.dma_semaphore, #tpu.memory_space<semaphore_mem>>
    %dma_start3A_173 = tpu.memref_squeeze %dma_start3A_172 : memref<1x!tpu.dma_semaphore, #tpu.memory_space<semaphore_mem>> -> memref<!tpu.dma_semaphore, #tpu.memory_space<semaphore_mem>>
    %dma_start3A_174 = arith.constant 0 : i32
    %dma_start3A_175 = arith.constant 0 : i32
    %dma_start3A_176 = tpu.memref_slice %arg5[%dma_start3A_170, %dma_start3A_174, %dma_start3A_175] : memref<32x6272x128xf32, #tpu.memory_space<any>> -> memref<1x6272x128xf32, #tpu.memory_space<any>>
    %dma_start3A_177 = tpu.memref_squeeze %dma_start3A_176 : memref<1x6272x128xf32, #tpu.memory_space<any>> -> memref<6272x128xf32, #tpu.memory_space<any>>
    %dma_start3A_178 = arith.constant 0 : i32
    %dma_start3A_179 = arith.constant 0 : i32
    %dma_start3A_180 = tpu.memref_slice %arg6[%get3A_169, %dma_start3A_178, %dma_start3A_179] : memref<4x6272x128xf32, #tpu.memory_space<vmem>> -> memref<1x6272x128xf32, #tpu.memory_space<vmem>>
    %dma_start3A_181 = tpu.memref_squeeze %dma_start3A_180 : memref<1x6272x128xf32, #tpu.memory_space<vmem>> -> memref<6272x128xf32, #tpu.memory_space<vmem>>
    tpu.enqueue_dma source(%dma_start3A_181 : memref<6272x128xf32, #tpu.memory_space<vmem>>) target(%dma_start3A_177 : memref<6272x128xf32, #tpu.memory_space<any>>) target_semaphore(%dma_start3A_173 : memref<!tpu.dma_semaphore, #tpu.memory_space<semaphore_mem>>)
    %get3A_182 = arith.constant 5 : index
    %get3A_183 = memref.load %arg1[%get3A_182] : memref<32xi32, #tpu.memory_space<smem>>
    %dma_start3A_184 = arith.constant 5 : i32
    %dma_start3A_185 = arith.constant 5 : i32
    %dma_start3A_186 = tpu.memref_slice %arg7[%dma_start3A_185] : memref<32x!tpu.dma_semaphore, #tpu.memory_space<semaphore_mem>> -> memref<1x!tpu.dma_semaphore, #tpu.memory_space<semaphore_mem>>
    %dma_start3A_187 = tpu.memref_squeeze %dma_start3A_186 : memref<1x!tpu.dma_semaphore, #tpu.memory_space<semaphore_mem>> -> memref<!tpu.dma_semaphore, #tpu.memory_space<semaphore_mem>>
    %dma_start3A_188 = arith.constant 0 : i32
    %dma_start3A_189 = arith.constant 0 : i32
    %dma_start3A_190 = tpu.memref_slice %arg5[%dma_start3A_184, %dma_start3A_188, %dma_start3A_189] : memref<32x6272x128xf32, #tpu.memory_space<any>> -> memref<1x6272x128xf32, #tpu.memory_space<any>>
    %dma_start3A_191 = tpu.memref_squeeze %dma_start3A_190 : memref<1x6272x128xf32, #tpu.memory_space<any>> -> memref<6272x128xf32, #tpu.memory_space<any>>
    %dma_start3A_192 = arith.constant 0 : i32
    %dma_start3A_193 = arith.constant 0 : i32
    %dma_start3A_194 = tpu.memref_slice %arg6[%get3A_183, %dma_start3A_192, %dma_start3A_193] : memref<4x6272x128xf32, #tpu.memory_space<vmem>> -> memref<1x6272x128xf32, #tpu.memory_space<vmem>>
    %dma_start3A_195 = tpu.memref_squeeze %dma_start3A_194 : memref<1x6272x128xf32, #tpu.memory_space<vmem>> -> memref<6272x128xf32, #tpu.memory_space<vmem>>
    tpu.enqueue_dma source(%dma_start3A_195 : memref<6272x128xf32, #tpu.memory_space<vmem>>) target(%dma_start3A_191 : memref<6272x128xf32, #tpu.memory_space<any>>) target_semaphore(%dma_start3A_187 : memref<!tpu.dma_semaphore, #tpu.memory_space<semaphore_mem>>)
    %get3A_196 = arith.constant 6 : index
    %get3A_197 = memref.load %arg1[%get3A_196] : memref<32xi32, #tpu.memory_space<smem>>
    %dma_start3A_198 = arith.constant 6 : i32
    %dma_start3A_199 = arith.constant 6 : i32
    %dma_start3A_200 = tpu.memref_slice %arg7[%dma_start3A_199] : memref<32x!tpu.dma_semaphore, #tpu.memory_space<semaphore_mem>> -> memref<1x!tpu.dma_semaphore, #tpu.memory_space<semaphore_mem>>
    %dma_start3A_201 = tpu.memref_squeeze %dma_start3A_200 : memref<1x!tpu.dma_semaphore, #tpu.memory_space<semaphore_mem>> -> memref<!tpu.dma_semaphore, #tpu.memory_space<semaphore_mem>>
    %dma_start3A_202 = arith.constant 0 : i32
    %dma_start3A_203 = arith.constant 0 : i32
    %dma_start3A_204 = tpu.memref_slice %arg5[%dma_start3A_198, %dma_start3A_202, %dma_start3A_203] : memref<32x6272x128xf32, #tpu.memory_space<any>> -> memref<1x6272x128xf32, #tpu.memory_space<any>>
    %dma_start3A_205 = tpu.memref_squeeze %dma_start3A_204 : memref<1x6272x128xf32, #tpu.memory_space<any>> -> memref<6272x128xf32, #tpu.memory_space<any>>
    %dma_start3A_206 = arith.constant 0 : i32
    %dma_start3A_207 = arith.constant 0 : i32
    %dma_start3A_208 = tpu.memref_slice %arg6[%get3A_197, %dma_start3A_206, %dma_start3A_207] : memref<4x6272x128xf32, #tpu.memory_space<vmem>> -> memref<1x6272x128xf32, #tpu.memory_space<vmem>>
    %dma_start3A_209 = tpu.memref_squeeze %dma_start3A_208 : memref<1x6272x128xf32, #tpu.memory_space<vmem>> -> memref<6272x128xf32, #tpu.memory_space<vmem>>
    tpu.enqueue_dma source(%dma_start3A_209 : memref<6272x128xf32, #tpu.memory_space<vmem>>) target(%dma_start3A_205 : memref<6272x128xf32, #tpu.memory_space<any>>) target_semaphore(%dma_start3A_201 : memref<!tpu.dma_semaphore, #tpu.memory_space<semaphore_mem>>)
    %get3A_210 = arith.constant 7 : index
    %get3A_211 = memref.load %arg1[%get3A_210] : memref<32xi32, #tpu.memory_space<smem>>
    %dma_start3A_212 = arith.constant 7 : i32
    %dma_start3A_213 = arith.constant 7 : i32
    %dma_start3A_214 = tpu.memref_slice %arg7[%dma_start3A_213] : memref<32x!tpu.dma_semaphore, #tpu.memory_space<semaphore_mem>> -> memref<1x!tpu.dma_semaphore, #tpu.memory_space<semaphore_mem>>
    %dma_start3A_215 = tpu.memref_squeeze %dma_start3A_214 : memref<1x!tpu.dma_semaphore, #tpu.memory_space<semaphore_mem>> -> memref<!tpu.dma_semaphore, #tpu.memory_space<semaphore_mem>>
    %dma_start3A_216 = arith.constant 0 : i32
    %dma_start3A_217 = arith.constant 0 : i32
    %dma_start3A_218 = tpu.memref_slice %arg5[%dma_start3A_212, %dma_start3A_216, %dma_start3A_217] : memref<32x6272x128xf32, #tpu.memory_space<any>> -> memref<1x6272x128xf32, #tpu.memory_space<any>>
    %dma_start3A_219 = tpu.memref_squeeze %dma_start3A_218 : memref<1x6272x128xf32, #tpu.memory_space<any>> -> memref<6272x128xf32, #tpu.memory_space<any>>
    %dma_start3A_220 = arith.constant 0 : i32
    %dma_start3A_221 = arith.constant 0 : i32
    %dma_start3A_222 = tpu.memref_slice %arg6[%get3A_211, %dma_start3A_220, %dma_start3A_221] : memref<4x6272x128xf32, #tpu.memory_space<vmem>> -> memref<1x6272x128xf32, #tpu.memory_space<vmem>>
    %dma_start3A_223 = tpu.memref_squeeze %dma_start3A_222 : memref<1x6272x128xf32, #tpu.memory_space<vmem>> -> memref<6272x128xf32, #tpu.memory_space<vmem>>
    tpu.enqueue_dma source(%dma_start3A_223 : memref<6272x128xf32, #tpu.memory_space<vmem>>) target(%dma_start3A_219 : memref<6272x128xf32, #tpu.memory_space<any>>) target_semaphore(%dma_start3A_215 : memref<!tpu.dma_semaphore, #tpu.memory_space<semaphore_mem>>)
    %get3A_224 = arith.constant 8 : index
    %get3A_225 = memref.load %arg1[%get3A_224] : memref<32xi32, #tpu.memory_space<smem>>
    %dma_start3A_226 = arith.constant 8 : i32
    %dma_start3A_227 = arith.constant 8 : i32
    %dma_start3A_228 = tpu.memref_slice %arg7[%dma_start3A_227] : memref<32x!tpu.dma_semaphore, #tpu.memory_space<semaphore_mem>> -> memref<1x!tpu.dma_semaphore, #tpu.memory_space<semaphore_mem>>
    %dma_start3A_229 = tpu.memref_squeeze %dma_start3A_228 : memref<1x!tpu.dma_semaphore, #tpu.memory_space<semaphore_mem>> -> memref<!tpu.dma_semaphore, #tpu.memory_space<semaphore_mem>>
    %dma_start3A_230 = arith.constant 0 : i32
    %dma_start3A_231 = arith.constant 0 : i32
    %dma_start3A_232 = tpu.memref_slice %arg5[%dma_start3A_226, %dma_start3A_230, %dma_start3A_231] : memref<32x6272x128xf32, #tpu.memory_space<any>> -> memref<1x6272x128xf32, #tpu.memory_space<any>>
    %dma_start3A_233 = tpu.memref_squeeze %dma_start3A_232 : memref<1x6272x128xf32, #tpu.memory_space<any>> -> memref<6272x128xf32, #tpu.memory_space<any>>
    %dma_start3A_234 = arith.constant 0 : i32
    %dma_start3A_235 = arith.constant 0 : i32
    %dma_start3A_236 = tpu.memref_slice %arg6[%get3A_225, %dma_start3A_234, %dma_start3A_235] : memref<4x6272x128xf32, #tpu.memory_space<vmem>> -> memref<1x6272x128xf32, #tpu.memory_space<vmem>>
    %dma_start3A_237 = tpu.memref_squeeze %dma_start3A_236 : memref<1x6272x128xf32, #tpu.memory_space<vmem>> -> memref<6272x128xf32, #tpu.memory_space<vmem>>
    tpu.enqueue_dma source(%dma_start3A_237 : memref<6272x128xf32, #tpu.memory_space<vmem>>) target(%dma_start3A_233 : memref<6272x128xf32, #tpu.memory_space<any>>) target_semaphore(%dma_start3A_229 : memref<!tpu.dma_semaphore, #tpu.memory_space<semaphore_mem>>)
    %get3A_238 = arith.constant 9 : index
    %get3A_239 = memref.load %arg1[%get3A_238] : memref<32xi32, #tpu.memory_space<smem>>
    %dma_start3A_240 = arith.constant 9 : i32
    %dma_start3A_241 = arith.constant 9 : i32
    %dma_start3A_242 = tpu.memref_slice %arg7[%dma_start3A_241] : memref<32x!tpu.dma_semaphore, #tpu.memory_space<semaphore_mem>> -> memref<1x!tpu.dma_semaphore, #tpu.memory_space<semaphore_mem>>
    %dma_start3A_243 = tpu.memref_squeeze %dma_start3A_242 : memref<1x!tpu.dma_semaphore, #tpu.memory_space<semaphore_mem>> -> memref<!tpu.dma_semaphore, #tpu.memory_space<semaphore_mem>>
    %dma_start3A_244 = arith.constant 0 : i32
    %dma_start3A_245 = arith.constant 0 : i32
    %dma_start3A_246 = tpu.memref_slice %arg5[%dma_start3A_240, %dma_start3A_244, %dma_start3A_245] : memref<32x6272x128xf32, #tpu.memory_space<any>> -> memref<1x6272x128xf32, #tpu.memory_space<any>>
    %dma_start3A_247 = tpu.memref_squeeze %dma_start3A_246 : memref<1x6272x128xf32, #tpu.memory_space<any>> -> memref<6272x128xf32, #tpu.memory_space<any>>
    %dma_start3A_248 = arith.constant 0 : i32
    %dma_start3A_249 = arith.constant 0 : i32
    %dma_start3A_250 = tpu.memref_slice %arg6[%get3A_239, %dma_start3A_248, %dma_start3A_249] : memref<4x6272x128xf32, #tpu.memory_space<vmem>> -> memref<1x6272x128xf32, #tpu.memory_space<vmem>>
    %dma_start3A_251 = tpu.memref_squeeze %dma_start3A_250 : memref<1x6272x128xf32, #tpu.memory_space<vmem>> -> memref<6272x128xf32, #tpu.memory_space<vmem>>
    tpu.enqueue_dma source(%dma_start3A_251 : memref<6272x128xf32, #tpu.memory_space<vmem>>) target(%dma_start3A_247 : memref<6272x128xf32, #tpu.memory_space<any>>) target_semaphore(%dma_start3A_243 : memref<!tpu.dma_semaphore, #tpu.memory_space<semaphore_mem>>)
    %get3A_252 = arith.constant 10 : index
    %get3A_253 = memref.load %arg1[%get3A_252] : memref<32xi32, #tpu.memory_space<smem>>
    %dma_start3A_254 = arith.constant 10 : i32
    %dma_start3A_255 = arith.constant 10 : i32
    %dma_start3A_256 = tpu.memref_slice %arg7[%dma_start3A_255] : memref<32x!tpu.dma_semaphore, #tpu.memory_space<semaphore_mem>> -> memref<1x!tpu.dma_semaphore, #tpu.memory_space<semaphore_mem>>
    %dma_start3A_257 = tpu.memref_squeeze %dma_start3A_256 : memref<1x!tpu.dma_semaphore, #tpu.memory_space<semaphore_mem>> -> memref<!tpu.dma_semaphore, #tpu.memory_space<semaphore_mem>>
    %dma_start3A_258 = arith.constant 0 : i32
    %dma_start3A_259 = arith.constant 0 : i32
    %dma_start3A_260 = tpu.memref_slice %arg5[%dma_start3A_254, %dma_start3A_258, %dma_start3A_259] : memref<32x6272x128xf32, #tpu.memory_space<any>> -> memref<1x6272x128xf32, #tpu.memory_space<any>>
    %dma_start3A_261 = tpu.memref_squeeze %dma_start3A_260 : memref<1x6272x128xf32, #tpu.memory_space<any>> -> memref<6272x128xf32, #tpu.memory_space<any>>
    %dma_start3A_262 = arith.constant 0 : i32
    %dma_start3A_263 = arith.constant 0 : i32
    %dma_start3A_264 = tpu.memref_slice %arg6[%get3A_253, %dma_start3A_262, %dma_start3A_263] : memref<4x6272x128xf32, #tpu.memory_space<vmem>> -> memref<1x6272x128xf32, #tpu.memory_space<vmem>>
    %dma_start3A_265 = tpu.memref_squeeze %dma_start3A_264 : memref<1x6272x128xf32, #tpu.memory_space<vmem>> -> memref<6272x128xf32, #tpu.memory_space<vmem>>
    tpu.enqueue_dma source(%dma_start3A_265 : memref<6272x128xf32, #tpu.memory_space<vmem>>) target(%dma_start3A_261 : memref<6272x128xf32, #tpu.memory_space<any>>) target_semaphore(%dma_start3A_257 : memref<!tpu.dma_semaphore, #tpu.memory_space<semaphore_mem>>)
    %get3A_266 = arith.constant 11 : index
    %get3A_267 = memref.load %arg1[%get3A_266] : memref<32xi32, #tpu.memory_space<smem>>
    %dma_start3A_268 = arith.constant 11 : i32
    %dma_start3A_269 = arith.constant 11 : i32
    %dma_start3A_270 = tpu.memref_slice %arg7[%dma_start3A_269] : memref<32x!tpu.dma_semaphore, #tpu.memory_space<semaphore_mem>> -> memref<1x!tpu.dma_semaphore, #tpu.memory_space<semaphore_mem>>
    %dma_start3A_271 = tpu.memref_squeeze %dma_start3A_270 : memref<1x!tpu.dma_semaphore, #tpu.memory_space<semaphore_mem>> -> memref<!tpu.dma_semaphore, #tpu.memory_space<semaphore_mem>>
    %dma_start3A_272 = arith.constant 0 : i32
    %dma_start3A_273 = arith.constant 0 : i32
    %dma_start3A_274 = tpu.memref_slice %arg5[%dma_start3A_268, %dma_start3A_272, %dma_start3A_273] : memref<32x6272x128xf32, #tpu.memory_space<any>> -> memref<1x6272x128xf32, #tpu.memory_space<any>>
    %dma_start3A_275 = tpu.memref_squeeze %dma_start3A_274 : memref<1x6272x128xf32, #tpu.memory_space<any>> -> memref<6272x128xf32, #tpu.memory_space<any>>
    %dma_start3A_276 = arith.constant 0 : i32
    %dma_start3A_277 = arith.constant 0 : i32
    %dma_start3A_278 = tpu.memref_slice %arg6[%get3A_267, %dma_start3A_276, %dma_start3A_277] : memref<4x6272x128xf32, #tpu.memory_space<vmem>> -> memref<1x6272x128xf32, #tpu.memory_space<vmem>>
    %dma_start3A_279 = tpu.memref_squeeze %dma_start3A_278 : memref<1x6272x128xf32, #tpu.memory_space<vmem>> -> memref<6272x128xf32, #tpu.memory_space<vmem>>
    tpu.enqueue_dma source(%dma_start3A_279 : memref<6272x128xf32, #tpu.memory_space<vmem>>) target(%dma_start3A_275 : memref<6272x128xf32, #tpu.memory_space<any>>) target_semaphore(%dma_start3A_271 : memref<!tpu.dma_semaphore, #tpu.memory_space<semaphore_mem>>)
    %get3A_280 = arith.constant 12 : index
    %get3A_281 = memref.load %arg1[%get3A_280] : memref<32xi32, #tpu.memory_space<smem>>
    %dma_start3A_282 = arith.constant 12 : i32
    %dma_start3A_283 = arith.constant 12 : i32
    %dma_start3A_284 = tpu.memref_slice %arg7[%dma_start3A_283] : memref<32x!tpu.dma_semaphore, #tpu.memory_space<semaphore_mem>> -> memref<1x!tpu.dma_semaphore, #tpu.memory_space<semaphore_mem>>
    %dma_start3A_285 = tpu.memref_squeeze %dma_start3A_284 : memref<1x!tpu.dma_semaphore, #tpu.memory_space<semaphore_mem>> -> memref<!tpu.dma_semaphore, #tpu.memory_space<semaphore_mem>>
    %dma_start3A_286 = arith.constant 0 : i32
    %dma_start3A_287 = arith.constant 0 : i32
    %dma_start3A_288 = tpu.memref_slice %arg5[%dma_start3A_282, %dma_start3A_286, %dma_start3A_287] : memref<32x6272x128xf32, #tpu.memory_space<any>> -> memref<1x6272x128xf32, #tpu.memory_space<any>>
    %dma_start3A_289 = tpu.memref_squeeze %dma_start3A_288 : memref<1x6272x128xf32, #tpu.memory_space<any>> -> memref<6272x128xf32, #tpu.memory_space<any>>
    %dma_start3A_290 = arith.constant 0 : i32
    %dma_start3A_291 = arith.constant 0 : i32
    %dma_start3A_292 = tpu.memref_slice %arg6[%get3A_281, %dma_start3A_290, %dma_start3A_291] : memref<4x6272x128xf32, #tpu.memory_space<vmem>> -> memref<1x6272x128xf32, #tpu.memory_space<vmem>>
    %dma_start3A_293 = tpu.memref_squeeze %dma_start3A_292 : memref<1x6272x128xf32, #tpu.memory_space<vmem>> -> memref<6272x128xf32, #tpu.memory_space<vmem>>
    tpu.enqueue_dma source(%dma_start3A_293 : memref<6272x128xf32, #tpu.memory_space<vmem>>) target(%dma_start3A_289 : memref<6272x128xf32, #tpu.memory_space<any>>) target_semaphore(%dma_start3A_285 : memref<!tpu.dma_semaphore, #tpu.memory_space<semaphore_mem>>)
    %get3A_294 = arith.constant 13 : index
    %get3A_295 = memref.load %arg1[%get3A_294] : memref<32xi32, #tpu.memory_space<smem>>
    %dma_start3A_296 = arith.constant 13 : i32
    %dma_start3A_297 = arith.constant 13 : i32
    %dma_start3A_298 = tpu.memref_slice %arg7[%dma_start3A_297] : memref<32x!tpu.dma_semaphore, #tpu.memory_space<semaphore_mem>> -> memref<1x!tpu.dma_semaphore, #tpu.memory_space<semaphore_mem>>
    %dma_start3A_299 = tpu.memref_squeeze %dma_start3A_298 : memref<1x!tpu.dma_semaphore, #tpu.memory_space<semaphore_mem>> -> memref<!tpu.dma_semaphore, #tpu.memory_space<semaphore_mem>>
    %dma_start3A_300 = arith.constant 0 : i32
    %dma_start3A_301 = arith.constant 0 : i32
    %dma_start3A_302 = tpu.memref_slice %arg5[%dma_start3A_296, %dma_start3A_300, %dma_start3A_301] : memref<32x6272x128xf32, #tpu.memory_space<any>> -> memref<1x6272x128xf32, #tpu.memory_space<any>>
    %dma_start3A_303 = tpu.memref_squeeze %dma_start3A_302 : memref<1x6272x128xf32, #tpu.memory_space<any>> -> memref<6272x128xf32, #tpu.memory_space<any>>
    %dma_start3A_304 = arith.constant 0 : i32
    %dma_start3A_305 = arith.constant 0 : i32
    %dma_start3A_306 = tpu.memref_slice %arg6[%get3A_295, %dma_start3A_304, %dma_start3A_305] : memref<4x6272x128xf32, #tpu.memory_space<vmem>> -> memref<1x6272x128xf32, #tpu.memory_space<vmem>>
    %dma_start3A_307 = tpu.memref_squeeze %dma_start3A_306 : memref<1x6272x128xf32, #tpu.memory_space<vmem>> -> memref<6272x128xf32, #tpu.memory_space<vmem>>
    tpu.enqueue_dma source(%dma_start3A_307 : memref<6272x128xf32, #tpu.memory_space<vmem>>) target(%dma_start3A_303 : memref<6272x128xf32, #tpu.memory_space<any>>) target_semaphore(%dma_start3A_299 : memref<!tpu.dma_semaphore, #tpu.memory_space<semaphore_mem>>)
    %get3A_308 = arith.constant 14 : index
    %get3A_309 = memref.load %arg1[%get3A_308] : memref<32xi32, #tpu.memory_space<smem>>
    %dma_start3A_310 = arith.constant 14 : i32
    %dma_start3A_311 = arith.constant 14 : i32
    %dma_start3A_312 = tpu.memref_slice %arg7[%dma_start3A_311] : memref<32x!tpu.dma_semaphore, #tpu.memory_space<semaphore_mem>> -> memref<1x!tpu.dma_semaphore, #tpu.memory_space<semaphore_mem>>
    %dma_start3A_313 = tpu.memref_squeeze %dma_start3A_312 : memref<1x!tpu.dma_semaphore, #tpu.memory_space<semaphore_mem>> -> memref<!tpu.dma_semaphore, #tpu.memory_space<semaphore_mem>>
    %dma_start3A_314 = arith.constant 0 : i32
    %dma_start3A_315 = arith.constant 0 : i32
    %dma_start3A_316 = tpu.memref_slice %arg5[%dma_start3A_310, %dma_start3A_314, %dma_start3A_315] : memref<32x6272x128xf32, #tpu.memory_space<any>> -> memref<1x6272x128xf32, #tpu.memory_space<any>>
    %dma_start3A_317 = tpu.memref_squeeze %dma_start3A_316 : memref<1x6272x128xf32, #tpu.memory_space<any>> -> memref<6272x128xf32, #tpu.memory_space<any>>
    %dma_start3A_318 = arith.constant 0 : i32
    %dma_start3A_319 = arith.constant 0 : i32
    %dma_start3A_320 = tpu.memref_slice %arg6[%get3A_309, %dma_start3A_318, %dma_start3A_319] : memref<4x6272x128xf32, #tpu.memory_space<vmem>> -> memref<1x6272x128xf32, #tpu.memory_space<vmem>>
    %dma_start3A_321 = tpu.memref_squeeze %dma_start3A_320 : memref<1x6272x128xf32, #tpu.memory_space<vmem>> -> memref<6272x128xf32, #tpu.memory_space<vmem>>
    tpu.enqueue_dma source(%dma_start3A_321 : memref<6272x128xf32, #tpu.memory_space<vmem>>) target(%dma_start3A_317 : memref<6272x128xf32, #tpu.memory_space<any>>) target_semaphore(%dma_start3A_313 : memref<!tpu.dma_semaphore, #tpu.memory_space<semaphore_mem>>)
    %get3A_322 = arith.constant 15 : index
    %get3A_323 = memref.load %arg1[%get3A_322] : memref<32xi32, #tpu.memory_space<smem>>
    %dma_start3A_324 = arith.constant 15 : i32
    %dma_start3A_325 = arith.constant 15 : i32
    %dma_start3A_326 = tpu.memref_slice %arg7[%dma_start3A_325] : memref<32x!tpu.dma_semaphore, #tpu.memory_space<semaphore_mem>> -> memref<1x!tpu.dma_semaphore, #tpu.memory_space<semaphore_mem>>
    %dma_start3A_327 = tpu.memref_squeeze %dma_start3A_326 : memref<1x!tpu.dma_semaphore, #tpu.memory_space<semaphore_mem>> -> memref<!tpu.dma_semaphore, #tpu.memory_space<semaphore_mem>>
    %dma_start3A_328 = arith.constant 0 : i32
    %dma_start3A_329 = arith.constant 0 : i32
    %dma_start3A_330 = tpu.memref_slice %arg5[%dma_start3A_324, %dma_start3A_328, %dma_start3A_329] : memref<32x6272x128xf32, #tpu.memory_space<any>> -> memref<1x6272x128xf32, #tpu.memory_space<any>>
    %dma_start3A_331 = tpu.memref_squeeze %dma_start3A_330 : memref<1x6272x128xf32, #tpu.memory_space<any>> -> memref<6272x128xf32, #tpu.memory_space<any>>
    %dma_start3A_332 = arith.constant 0 : i32
    %dma_start3A_333 = arith.constant 0 : i32
    %dma_start3A_334 = tpu.memref_slice %arg6[%get3A_323, %dma_start3A_332, %dma_start3A_333] : memref<4x6272x128xf32, #tpu.memory_space<vmem>> -> memref<1x6272x128xf32, #tpu.memory_space<vmem>>
    %dma_start3A_335 = tpu.memref_squeeze %dma_start3A_334 : memref<1x6272x128xf32, #tpu.memory_space<vmem>> -> memref<6272x128xf32, #tpu.memory_space<vmem>>
    tpu.enqueue_dma source(%dma_start3A_335 : memref<6272x128xf32, #tpu.memory_space<vmem>>) target(%dma_start3A_331 : memref<6272x128xf32, #tpu.memory_space<any>>) target_semaphore(%dma_start3A_327 : memref<!tpu.dma_semaphore, #tpu.memory_space<semaphore_mem>>)
    %get3A_336 = arith.constant 16 : index
    %get3A_337 = memref.load %arg1[%get3A_336] : memref<32xi32, #tpu.memory_space<smem>>
    %dma_start3A_338 = arith.constant 16 : i32
    %dma_start3A_339 = arith.constant 16 : i32
    %dma_start3A_340 = tpu.memref_slice %arg7[%dma_start3A_339] : memref<32x!tpu.dma_semaphore, #tpu.memory_space<semaphore_mem>> -> memref<1x!tpu.dma_semaphore, #tpu.memory_space<semaphore_mem>>
    %dma_start3A_341 = tpu.memref_squeeze %dma_start3A_340 : memref<1x!tpu.dma_semaphore, #tpu.memory_space<semaphore_mem>> -> memref<!tpu.dma_semaphore, #tpu.memory_space<semaphore_mem>>
    %dma_start3A_342 = arith.constant 0 : i32
    %dma_start3A_343 = arith.constant 0 : i32
    %dma_start3A_344 = tpu.memref_slice %arg5[%dma_start3A_338, %dma_start3A_342, %dma_start3A_343] : memref<32x6272x128xf32, #tpu.memory_space<any>> -> memref<1x6272x128xf32, #tpu.memory_space<any>>
    %dma_start3A_345 = tpu.memref_squeeze %dma_start3A_344 : memref<1x6272x128xf32, #tpu.memory_space<any>> -> memref<6272x128xf32, #tpu.memory_space<any>>
    %dma_start3A_346 = arith.constant 0 : i32
    %dma_start3A_347 = arith.constant 0 : i32
    %dma_start3A_348 = tpu.memref_slice %arg6[%get3A_337, %dma_start3A_346, %dma_start3A_347] : memref<4x6272x128xf32, #tpu.memory_space<vmem>> -> memref<1x6272x128xf32, #tpu.memory_space<vmem>>
    %dma_start3A_349 = tpu.memref_squeeze %dma_start3A_348 : memref<1x6272x128xf32, #tpu.memory_space<vmem>> -> memref<6272x128xf32, #tpu.memory_space<vmem>>
    tpu.enqueue_dma source(%dma_start3A_349 : memref<6272x128xf32, #tpu.memory_space<vmem>>) target(%dma_start3A_345 : memref<6272x128xf32, #tpu.memory_space<any>>) target_semaphore(%dma_start3A_341 : memref<!tpu.dma_semaphore, #tpu.memory_space<semaphore_mem>>)
    %get3A_350 = arith.constant 17 : index
    %get3A_351 = memref.load %arg1[%get3A_350] : memref<32xi32, #tpu.memory_space<smem>>
    %dma_start3A_352 = arith.constant 17 : i32
    %dma_start3A_353 = arith.constant 17 : i32
    %dma_start3A_354 = tpu.memref_slice %arg7[%dma_start3A_353] : memref<32x!tpu.dma_semaphore, #tpu.memory_space<semaphore_mem>> -> memref<1x!tpu.dma_semaphore, #tpu.memory_space<semaphore_mem>>
    %dma_start3A_355 = tpu.memref_squeeze %dma_start3A_354 : memref<1x!tpu.dma_semaphore, #tpu.memory_space<semaphore_mem>> -> memref<!tpu.dma_semaphore, #tpu.memory_space<semaphore_mem>>
    %dma_start3A_356 = arith.constant 0 : i32
    %dma_start3A_357 = arith.constant 0 : i32
    %dma_start3A_358 = tpu.memref_slice %arg5[%dma_start3A_352, %dma_start3A_356, %dma_start3A_357] : memref<32x6272x128xf32, #tpu.memory_space<any>> -> memref<1x6272x128xf32, #tpu.memory_space<any>>
    %dma_start3A_359 = tpu.memref_squeeze %dma_start3A_358 : memref<1x6272x128xf32, #tpu.memory_space<any>> -> memref<6272x128xf32, #tpu.memory_space<any>>
    %dma_start3A_360 = arith.constant 0 : i32
    %dma_start3A_361 = arith.constant 0 : i32
    %dma_start3A_362 = tpu.memref_slice %arg6[%get3A_351, %dma_start3A_360, %dma_start3A_361] : memref<4x6272x128xf32, #tpu.memory_space<vmem>> -> memref<1x6272x128xf32, #tpu.memory_space<vmem>>
    %dma_start3A_363 = tpu.memref_squeeze %dma_start3A_362 : memref<1x6272x128xf32, #tpu.memory_space<vmem>> -> memref<6272x128xf32, #tpu.memory_space<vmem>>
    tpu.enqueue_dma source(%dma_start3A_363 : memref<6272x128xf32, #tpu.memory_space<vmem>>) target(%dma_start3A_359 : memref<6272x128xf32, #tpu.memory_space<any>>) target_semaphore(%dma_start3A_355 : memref<!tpu.dma_semaphore, #tpu.memory_space<semaphore_mem>>)
    %get3A_364 = arith.constant 18 : index
    %get3A_365 = memref.load %arg1[%get3A_364] : memref<32xi32, #tpu.memory_space<smem>>
    %dma_start3A_366 = arith.constant 18 : i32
    %dma_start3A_367 = arith.constant 18 : i32
    %dma_start3A_368 = tpu.memref_slice %arg7[%dma_start3A_367] : memref<32x!tpu.dma_semaphore, #tpu.memory_space<semaphore_mem>> -> memref<1x!tpu.dma_semaphore, #tpu.memory_space<semaphore_mem>>
    %dma_start3A_369 = tpu.memref_squeeze %dma_start3A_368 : memref<1x!tpu.dma_semaphore, #tpu.memory_space<semaphore_mem>> -> memref<!tpu.dma_semaphore, #tpu.memory_space<semaphore_mem>>
    %dma_start3A_370 = arith.constant 0 : i32
    %dma_start3A_371 = arith.constant 0 : i32
    %dma_start3A_372 = tpu.memref_slice %arg5[%dma_start3A_366, %dma_start3A_370, %dma_start3A_371] : memref<32x6272x128xf32, #tpu.memory_space<any>> -> memref<1x6272x128xf32, #tpu.memory_space<any>>
    %dma_start3A_373 = tpu.memref_squeeze %dma_start3A_372 : memref<1x6272x128xf32, #tpu.memory_space<any>> -> memref<6272x128xf32, #tpu.memory_space<any>>
    %dma_start3A_374 = arith.constant 0 : i32
    %dma_start3A_375 = arith.constant 0 : i32
    %dma_start3A_376 = tpu.memref_slice %arg6[%get3A_365, %dma_start3A_374, %dma_start3A_375] : memref<4x6272x128xf32, #tpu.memory_space<vmem>> -> memref<1x6272x128xf32, #tpu.memory_space<vmem>>
    %dma_start3A_377 = tpu.memref_squeeze %dma_start3A_376 : memref<1x6272x128xf32, #tpu.memory_space<vmem>> -> memref<6272x128xf32, #tpu.memory_space<vmem>>
    tpu.enqueue_dma source(%dma_start3A_377 : memref<6272x128xf32, #tpu.memory_space<vmem>>) target(%dma_start3A_373 : memref<6272x128xf32, #tpu.memory_space<any>>) target_semaphore(%dma_start3A_369 : memref<!tpu.dma_semaphore, #tpu.memory_space<semaphore_mem>>)
    %get3A_378 = arith.constant 19 : index
    %get3A_379 = memref.load %arg1[%get3A_378] : memref<32xi32, #tpu.memory_space<smem>>
    %dma_start3A_380 = arith.constant 19 : i32
    %dma_start3A_381 = arith.constant 19 : i32
    %dma_start3A_382 = tpu.memref_slice %arg7[%dma_start3A_381] : memref<32x!tpu.dma_semaphore, #tpu.memory_space<semaphore_mem>> -> memref<1x!tpu.dma_semaphore, #tpu.memory_space<semaphore_mem>>
    %dma_start3A_383 = tpu.memref_squeeze %dma_start3A_382 : memref<1x!tpu.dma_semaphore, #tpu.memory_space<semaphore_mem>> -> memref<!tpu.dma_semaphore, #tpu.memory_space<semaphore_mem>>
    %dma_start3A_384 = arith.constant 0 : i32
    %dma_start3A_385 = arith.constant 0 : i32
    %dma_start3A_386 = tpu.memref_slice %arg5[%dma_start3A_380, %dma_start3A_384, %dma_start3A_385] : memref<32x6272x128xf32, #tpu.memory_space<any>> -> memref<1x6272x128xf32, #tpu.memory_space<any>>
    %dma_start3A_387 = tpu.memref_squeeze %dma_start3A_386 : memref<1x6272x128xf32, #tpu.memory_space<any>> -> memref<6272x128xf32, #tpu.memory_space<any>>
    %dma_start3A_388 = arith.constant 0 : i32
    %dma_start3A_389 = arith.constant 0 : i32
    %dma_start3A_390 = tpu.memref_slice %arg6[%get3A_379, %dma_start3A_388, %dma_start3A_389] : memref<4x6272x128xf32, #tpu.memory_space<vmem>> -> memref<1x6272x128xf32, #tpu.memory_space<vmem>>
    %dma_start3A_391 = tpu.memref_squeeze %dma_start3A_390 : memref<1x6272x128xf32, #tpu.memory_space<vmem>> -> memref<6272x128xf32, #tpu.memory_space<vmem>>
    tpu.enqueue_dma source(%dma_start3A_391 : memref<6272x128xf32, #tpu.memory_space<vmem>>) target(%dma_start3A_387 : memref<6272x128xf32, #tpu.memory_space<any>>) target_semaphore(%dma_start3A_383 : memref<!tpu.dma_semaphore, #tpu.memory_space<semaphore_mem>>)
    %get3A_392 = arith.constant 20 : index
    %get3A_393 = memref.load %arg1[%get3A_392] : memref<32xi32, #tpu.memory_space<smem>>
    %dma_start3A_394 = arith.constant 20 : i32
    %dma_start3A_395 = arith.constant 20 : i32
    %dma_start3A_396 = tpu.memref_slice %arg7[%dma_start3A_395] : memref<32x!tpu.dma_semaphore, #tpu.memory_space<semaphore_mem>> -> memref<1x!tpu.dma_semaphore, #tpu.memory_space<semaphore_mem>>
    %dma_start3A_397 = tpu.memref_squeeze %dma_start3A_396 : memref<1x!tpu.dma_semaphore, #tpu.memory_space<semaphore_mem>> -> memref<!tpu.dma_semaphore, #tpu.memory_space<semaphore_mem>>
    %dma_start3A_398 = arith.constant 0 : i32
    %dma_start3A_399 = arith.constant 0 : i32
    %dma_start3A_400 = tpu.memref_slice %arg5[%dma_start3A_394, %dma_start3A_398, %dma_start3A_399] : memref<32x6272x128xf32, #tpu.memory_space<any>> -> memref<1x6272x128xf32, #tpu.memory_space<any>>
    %dma_start3A_401 = tpu.memref_squeeze %dma_start3A_400 : memref<1x6272x128xf32, #tpu.memory_space<any>> -> memref<6272x128xf32, #tpu.memory_space<any>>
    %dma_start3A_402 = arith.constant 0 : i32
    %dma_start3A_403 = arith.constant 0 : i32
    %dma_start3A_404 = tpu.memref_slice %arg6[%get3A_393, %dma_start3A_402, %dma_start3A_403] : memref<4x6272x128xf32, #tpu.memory_space<vmem>> -> memref<1x6272x128xf32, #tpu.memory_space<vmem>>
    %dma_start3A_405 = tpu.memref_squeeze %dma_start3A_404 : memref<1x6272x128xf32, #tpu.memory_space<vmem>> -> memref<6272x128xf32, #tpu.memory_space<vmem>>
    tpu.enqueue_dma source(%dma_start3A_405 : memref<6272x128xf32, #tpu.memory_space<vmem>>) target(%dma_start3A_401 : memref<6272x128xf32, #tpu.memory_space<any>>) target_semaphore(%dma_start3A_397 : memref<!tpu.dma_semaphore, #tpu.memory_space<semaphore_mem>>)
    %get3A_406 = arith.constant 21 : index
    %get3A_407 = memref.load %arg1[%get3A_406] : memref<32xi32, #tpu.memory_space<smem>>
    %dma_start3A_408 = arith.constant 21 : i32
    %dma_start3A_409 = arith.constant 21 : i32
    %dma_start3A_410 = tpu.memref_slice %arg7[%dma_start3A_409] : memref<32x!tpu.dma_semaphore, #tpu.memory_space<semaphore_mem>> -> memref<1x!tpu.dma_semaphore, #tpu.memory_space<semaphore_mem>>
    %dma_start3A_411 = tpu.memref_squeeze %dma_start3A_410 : memref<1x!tpu.dma_semaphore, #tpu.memory_space<semaphore_mem>> -> memref<!tpu.dma_semaphore, #tpu.memory_space<semaphore_mem>>
    %dma_start3A_412 = arith.constant 0 : i32
    %dma_start3A_413 = arith.constant 0 : i32
    %dma_start3A_414 = tpu.memref_slice %arg5[%dma_start3A_408, %dma_start3A_412, %dma_start3A_413] : memref<32x6272x128xf32, #tpu.memory_space<any>> -> memref<1x6272x128xf32, #tpu.memory_space<any>>
    %dma_start3A_415 = tpu.memref_squeeze %dma_start3A_414 : memref<1x6272x128xf32, #tpu.memory_space<any>> -> memref<6272x128xf32, #tpu.memory_space<any>>
    %dma_start3A_416 = arith.constant 0 : i32
    %dma_start3A_417 = arith.constant 0 : i32
    %dma_start3A_418 = tpu.memref_slice %arg6[%get3A_407, %dma_start3A_416, %dma_start3A_417] : memref<4x6272x128xf32, #tpu.memory_space<vmem>> -> memref<1x6272x128xf32, #tpu.memory_space<vmem>>
    %dma_start3A_419 = tpu.memref_squeeze %dma_start3A_418 : memref<1x6272x128xf32, #tpu.memory_space<vmem>> -> memref<6272x128xf32, #tpu.memory_space<vmem>>
    tpu.enqueue_dma source(%dma_start3A_419 : memref<6272x128xf32, #tpu.memory_space<vmem>>) target(%dma_start3A_415 : memref<6272x128xf32, #tpu.memory_space<any>>) target_semaphore(%dma_start3A_411 : memref<!tpu.dma_semaphore, #tpu.memory_space<semaphore_mem>>)
    %get3A_420 = arith.constant 22 : index
    %get3A_421 = memref.load %arg1[%get3A_420] : memref<32xi32, #tpu.memory_space<smem>>
    %dma_start3A_422 = arith.constant 22 : i32
    %dma_start3A_423 = arith.constant 22 : i32
    %dma_start3A_424 = tpu.memref_slice %arg7[%dma_start3A_423] : memref<32x!tpu.dma_semaphore, #tpu.memory_space<semaphore_mem>> -> memref<1x!tpu.dma_semaphore, #tpu.memory_space<semaphore_mem>>
    %dma_start3A_425 = tpu.memref_squeeze %dma_start3A_424 : memref<1x!tpu.dma_semaphore, #tpu.memory_space<semaphore_mem>> -> memref<!tpu.dma_semaphore, #tpu.memory_space<semaphore_mem>>
    %dma_start3A_426 = arith.constant 0 : i32
    %dma_start3A_427 = arith.constant 0 : i32
    %dma_start3A_428 = tpu.memref_slice %arg5[%dma_start3A_422, %dma_start3A_426, %dma_start3A_427] : memref<32x6272x128xf32, #tpu.memory_space<any>> -> memref<1x6272x128xf32, #tpu.memory_space<any>>
    %dma_start3A_429 = tpu.memref_squeeze %dma_start3A_428 : memref<1x6272x128xf32, #tpu.memory_space<any>> -> memref<6272x128xf32, #tpu.memory_space<any>>
    %dma_start3A_430 = arith.constant 0 : i32
    %dma_start3A_431 = arith.constant 0 : i32
    %dma_start3A_432 = tpu.memref_slice %arg6[%get3A_421, %dma_start3A_430, %dma_start3A_431] : memref<4x6272x128xf32, #tpu.memory_space<vmem>> -> memref<1x6272x128xf32, #tpu.memory_space<vmem>>
    %dma_start3A_433 = tpu.memref_squeeze %dma_start3A_432 : memref<1x6272x128xf32, #tpu.memory_space<vmem>> -> memref<6272x128xf32, #tpu.memory_space<vmem>>
    tpu.enqueue_dma source(%dma_start3A_433 : memref<6272x128xf32, #tpu.memory_space<vmem>>) target(%dma_start3A_429 : memref<6272x128xf32, #tpu.memory_space<any>>) target_semaphore(%dma_start3A_425 : memref<!tpu.dma_semaphore, #tpu.memory_space<semaphore_mem>>)
    %get3A_434 = arith.constant 23 : index
    %get3A_435 = memref.load %arg1[%get3A_434] : memref<32xi32, #tpu.memory_space<smem>>
    %dma_start3A_436 = arith.constant 23 : i32
    %dma_start3A_437 = arith.constant 23 : i32
    %dma_start3A_438 = tpu.memref_slice %arg7[%dma_start3A_437] : memref<32x!tpu.dma_semaphore, #tpu.memory_space<semaphore_mem>> -> memref<1x!tpu.dma_semaphore, #tpu.memory_space<semaphore_mem>>
    %dma_start3A_439 = tpu.memref_squeeze %dma_start3A_438 : memref<1x!tpu.dma_semaphore, #tpu.memory_space<semaphore_mem>> -> memref<!tpu.dma_semaphore, #tpu.memory_space<semaphore_mem>>
    %dma_start3A_440 = arith.constant 0 : i32
    %dma_start3A_441 = arith.constant 0 : i32
    %dma_start3A_442 = tpu.memref_slice %arg5[%dma_start3A_436, %dma_start3A_440, %dma_start3A_441] : memref<32x6272x128xf32, #tpu.memory_space<any>> -> memref<1x6272x128xf32, #tpu.memory_space<any>>
    %dma_start3A_443 = tpu.memref_squeeze %dma_start3A_442 : memref<1x6272x128xf32, #tpu.memory_space<any>> -> memref<6272x128xf32, #tpu.memory_space<any>>
    %dma_start3A_444 = arith.constant 0 : i32
    %dma_start3A_445 = arith.constant 0 : i32
    %dma_start3A_446 = tpu.memref_slice %arg6[%get3A_435, %dma_start3A_444, %dma_start3A_445] : memref<4x6272x128xf32, #tpu.memory_space<vmem>> -> memref<1x6272x128xf32, #tpu.memory_space<vmem>>
    %dma_start3A_447 = tpu.memref_squeeze %dma_start3A_446 : memref<1x6272x128xf32, #tpu.memory_space<vmem>> -> memref<6272x128xf32, #tpu.memory_space<vmem>>
    tpu.enqueue_dma source(%dma_start3A_447 : memref<6272x128xf32, #tpu.memory_space<vmem>>) target(%dma_start3A_443 : memref<6272x128xf32, #tpu.memory_space<any>>) target_semaphore(%dma_start3A_439 : memref<!tpu.dma_semaphore, #tpu.memory_space<semaphore_mem>>)
    %get3A_448 = arith.constant 24 : index
    %get3A_449 = memref.load %arg1[%get3A_448] : memref<32xi32, #tpu.memory_space<smem>>
    %dma_start3A_450 = arith.constant 24 : i32
    %dma_start3A_451 = arith.constant 24 : i32
    %dma_start3A_452 = tpu.memref_slice %arg7[%dma_start3A_451] : memref<32x!tpu.dma_semaphore, #tpu.memory_space<semaphore_mem>> -> memref<1x!tpu.dma_semaphore, #tpu.memory_space<semaphore_mem>>
    %dma_start3A_453 = tpu.memref_squeeze %dma_start3A_452 : memref<1x!tpu.dma_semaphore, #tpu.memory_space<semaphore_mem>> -> memref<!tpu.dma_semaphore, #tpu.memory_space<semaphore_mem>>
    %dma_start3A_454 = arith.constant 0 : i32
    %dma_start3A_455 = arith.constant 0 : i32
    %dma_start3A_456 = tpu.memref_slice %arg5[%dma_start3A_450, %dma_start3A_454, %dma_start3A_455] : memref<32x6272x128xf32, #tpu.memory_space<any>> -> memref<1x6272x128xf32, #tpu.memory_space<any>>
    %dma_start3A_457 = tpu.memref_squeeze %dma_start3A_456 : memref<1x6272x128xf32, #tpu.memory_space<any>> -> memref<6272x128xf32, #tpu.memory_space<any>>
    %dma_start3A_458 = arith.constant 0 : i32
    %dma_start3A_459 = arith.constant 0 : i32
    %dma_start3A_460 = tpu.memref_slice %arg6[%get3A_449, %dma_start3A_458, %dma_start3A_459] : memref<4x6272x128xf32, #tpu.memory_space<vmem>> -> memref<1x6272x128xf32, #tpu.memory_space<vmem>>
    %dma_start3A_461 = tpu.memref_squeeze %dma_start3A_460 : memref<1x6272x128xf32, #tpu.memory_space<vmem>> -> memref<6272x128xf32, #tpu.memory_space<vmem>>
    tpu.enqueue_dma source(%dma_start3A_461 : memref<6272x128xf32, #tpu.memory_space<vmem>>) target(%dma_start3A_457 : memref<6272x128xf32, #tpu.memory_space<any>>) target_semaphore(%dma_start3A_453 : memref<!tpu.dma_semaphore, #tpu.memory_space<semaphore_mem>>)
    %get3A_462 = arith.constant 25 : index
    %get3A_463 = memref.load %arg1[%get3A_462] : memref<32xi32, #tpu.memory_space<smem>>
    %dma_start3A_464 = arith.constant 25 : i32
    %dma_start3A_465 = arith.constant 25 : i32
    %dma_start3A_466 = tpu.memref_slice %arg7[%dma_start3A_465] : memref<32x!tpu.dma_semaphore, #tpu.memory_space<semaphore_mem>> -> memref<1x!tpu.dma_semaphore, #tpu.memory_space<semaphore_mem>>
    %dma_start3A_467 = tpu.memref_squeeze %dma_start3A_466 : memref<1x!tpu.dma_semaphore, #tpu.memory_space<semaphore_mem>> -> memref<!tpu.dma_semaphore, #tpu.memory_space<semaphore_mem>>
    %dma_start3A_468 = arith.constant 0 : i32
    %dma_start3A_469 = arith.constant 0 : i32
    %dma_start3A_470 = tpu.memref_slice %arg5[%dma_start3A_464, %dma_start3A_468, %dma_start3A_469] : memref<32x6272x128xf32, #tpu.memory_space<any>> -> memref<1x6272x128xf32, #tpu.memory_space<any>>
    %dma_start3A_471 = tpu.memref_squeeze %dma_start3A_470 : memref<1x6272x128xf32, #tpu.memory_space<any>> -> memref<6272x128xf32, #tpu.memory_space<any>>
    %dma_start3A_472 = arith.constant 0 : i32
    %dma_start3A_473 = arith.constant 0 : i32
    %dma_start3A_474 = tpu.memref_slice %arg6[%get3A_463, %dma_start3A_472, %dma_start3A_473] : memref<4x6272x128xf32, #tpu.memory_space<vmem>> -> memref<1x6272x128xf32, #tpu.memory_space<vmem>>
    %dma_start3A_475 = tpu.memref_squeeze %dma_start3A_474 : memref<1x6272x128xf32, #tpu.memory_space<vmem>> -> memref<6272x128xf32, #tpu.memory_space<vmem>>
    tpu.enqueue_dma source(%dma_start3A_475 : memref<6272x128xf32, #tpu.memory_space<vmem>>) target(%dma_start3A_471 : memref<6272x128xf32, #tpu.memory_space<any>>) target_semaphore(%dma_start3A_467 : memref<!tpu.dma_semaphore, #tpu.memory_space<semaphore_mem>>)
    %get3A_476 = arith.constant 26 : index
    %get3A_477 = memref.load %arg1[%get3A_476] : memref<32xi32, #tpu.memory_space<smem>>
    %dma_start3A_478 = arith.constant 26 : i32
    %dma_start3A_479 = arith.constant 26 : i32
    %dma_start3A_480 = tpu.memref_slice %arg7[%dma_start3A_479] : memref<32x!tpu.dma_semaphore, #tpu.memory_space<semaphore_mem>> -> memref<1x!tpu.dma_semaphore, #tpu.memory_space<semaphore_mem>>
    %dma_start3A_481 = tpu.memref_squeeze %dma_start3A_480 : memref<1x!tpu.dma_semaphore, #tpu.memory_space<semaphore_mem>> -> memref<!tpu.dma_semaphore, #tpu.memory_space<semaphore_mem>>
    %dma_start3A_482 = arith.constant 0 : i32
    %dma_start3A_483 = arith.constant 0 : i32
    %dma_start3A_484 = tpu.memref_slice %arg5[%dma_start3A_478, %dma_start3A_482, %dma_start3A_483] : memref<32x6272x128xf32, #tpu.memory_space<any>> -> memref<1x6272x128xf32, #tpu.memory_space<any>>
    %dma_start3A_485 = tpu.memref_squeeze %dma_start3A_484 : memref<1x6272x128xf32, #tpu.memory_space<any>> -> memref<6272x128xf32, #tpu.memory_space<any>>
    %dma_start3A_486 = arith.constant 0 : i32
    %dma_start3A_487 = arith.constant 0 : i32
    %dma_start3A_488 = tpu.memref_slice %arg6[%get3A_477, %dma_start3A_486, %dma_start3A_487] : memref<4x6272x128xf32, #tpu.memory_space<vmem>> -> memref<1x6272x128xf32, #tpu.memory_space<vmem>>
    %dma_start3A_489 = tpu.memref_squeeze %dma_start3A_488 : memref<1x6272x128xf32, #tpu.memory_space<vmem>> -> memref<6272x128xf32, #tpu.memory_space<vmem>>
    tpu.enqueue_dma source(%dma_start3A_489 : memref<6272x128xf32, #tpu.memory_space<vmem>>) target(%dma_start3A_485 : memref<6272x128xf32, #tpu.memory_space<any>>) target_semaphore(%dma_start3A_481 : memref<!tpu.dma_semaphore, #tpu.memory_space<semaphore_mem>>)
    %get3A_490 = arith.constant 27 : index
    %get3A_491 = memref.load %arg1[%get3A_490] : memref<32xi32, #tpu.memory_space<smem>>
    %dma_start3A_492 = arith.constant 27 : i32
    %dma_start3A_493 = arith.constant 27 : i32
    %dma_start3A_494 = tpu.memref_slice %arg7[%dma_start3A_493] : memref<32x!tpu.dma_semaphore, #tpu.memory_space<semaphore_mem>> -> memref<1x!tpu.dma_semaphore, #tpu.memory_space<semaphore_mem>>
    %dma_start3A_495 = tpu.memref_squeeze %dma_start3A_494 : memref<1x!tpu.dma_semaphore, #tpu.memory_space<semaphore_mem>> -> memref<!tpu.dma_semaphore, #tpu.memory_space<semaphore_mem>>
    %dma_start3A_496 = arith.constant 0 : i32
    %dma_start3A_497 = arith.constant 0 : i32
    %dma_start3A_498 = tpu.memref_slice %arg5[%dma_start3A_492, %dma_start3A_496, %dma_start3A_497] : memref<32x6272x128xf32, #tpu.memory_space<any>> -> memref<1x6272x128xf32, #tpu.memory_space<any>>
    %dma_start3A_499 = tpu.memref_squeeze %dma_start3A_498 : memref<1x6272x128xf32, #tpu.memory_space<any>> -> memref<6272x128xf32, #tpu.memory_space<any>>
    %dma_start3A_500 = arith.constant 0 : i32
    %dma_start3A_501 = arith.constant 0 : i32
    %dma_start3A_502 = tpu.memref_slice %arg6[%get3A_491, %dma_start3A_500, %dma_start3A_501] : memref<4x6272x128xf32, #tpu.memory_space<vmem>> -> memref<1x6272x128xf32, #tpu.memory_space<vmem>>
    %dma_start3A_503 = tpu.memref_squeeze %dma_start3A_502 : memref<1x6272x128xf32, #tpu.memory_space<vmem>> -> memref<6272x128xf32, #tpu.memory_space<vmem>>
    tpu.enqueue_dma source(%dma_start3A_503 : memref<6272x128xf32, #tpu.memory_space<vmem>>) target(%dma_start3A_499 : memref<6272x128xf32, #tpu.memory_space<any>>) target_semaphore(%dma_start3A_495 : memref<!tpu.dma_semaphore, #tpu.memory_space<semaphore_mem>>)
    %get3A_504 = arith.constant 28 : index
    %get3A_505 = memref.load %arg1[%get3A_504] : memref<32xi32, #tpu.memory_space<smem>>
    %dma_start3A_506 = arith.constant 28 : i32
    %dma_start3A_507 = arith.constant 28 : i32
    %dma_start3A_508 = tpu.memref_slice %arg7[%dma_start3A_507] : memref<32x!tpu.dma_semaphore, #tpu.memory_space<semaphore_mem>> -> memref<1x!tpu.dma_semaphore, #tpu.memory_space<semaphore_mem>>
    %dma_start3A_509 = tpu.memref_squeeze %dma_start3A_508 : memref<1x!tpu.dma_semaphore, #tpu.memory_space<semaphore_mem>> -> memref<!tpu.dma_semaphore, #tpu.memory_space<semaphore_mem>>
    %dma_start3A_510 = arith.constant 0 : i32
    %dma_start3A_511 = arith.constant 0 : i32
    %dma_start3A_512 = tpu.memref_slice %arg5[%dma_start3A_506, %dma_start3A_510, %dma_start3A_511] : memref<32x6272x128xf32, #tpu.memory_space<any>> -> memref<1x6272x128xf32, #tpu.memory_space<any>>
    %dma_start3A_513 = tpu.memref_squeeze %dma_start3A_512 : memref<1x6272x128xf32, #tpu.memory_space<any>> -> memref<6272x128xf32, #tpu.memory_space<any>>
    %dma_start3A_514 = arith.constant 0 : i32
    %dma_start3A_515 = arith.constant 0 : i32
    %dma_start3A_516 = tpu.memref_slice %arg6[%get3A_505, %dma_start3A_514, %dma_start3A_515] : memref<4x6272x128xf32, #tpu.memory_space<vmem>> -> memref<1x6272x128xf32, #tpu.memory_space<vmem>>
    %dma_start3A_517 = tpu.memref_squeeze %dma_start3A_516 : memref<1x6272x128xf32, #tpu.memory_space<vmem>> -> memref<6272x128xf32, #tpu.memory_space<vmem>>
    tpu.enqueue_dma source(%dma_start3A_517 : memref<6272x128xf32, #tpu.memory_space<vmem>>) target(%dma_start3A_513 : memref<6272x128xf32, #tpu.memory_space<any>>) target_semaphore(%dma_start3A_509 : memref<!tpu.dma_semaphore, #tpu.memory_space<semaphore_mem>>)
    %get3A_518 = arith.constant 29 : index
    %get3A_519 = memref.load %arg1[%get3A_518] : memref<32xi32, #tpu.memory_space<smem>>
    %dma_start3A_520 = arith.constant 29 : i32
    %dma_start3A_521 = arith.constant 29 : i32
    %dma_start3A_522 = tpu.memref_slice %arg7[%dma_start3A_521] : memref<32x!tpu.dma_semaphore, #tpu.memory_space<semaphore_mem>> -> memref<1x!tpu.dma_semaphore, #tpu.memory_space<semaphore_mem>>
    %dma_start3A_523 = tpu.memref_squeeze %dma_start3A_522 : memref<1x!tpu.dma_semaphore, #tpu.memory_space<semaphore_mem>> -> memref<!tpu.dma_semaphore, #tpu.memory_space<semaphore_mem>>
    %dma_start3A_524 = arith.constant 0 : i32
    %dma_start3A_525 = arith.constant 0 : i32
    %dma_start3A_526 = tpu.memref_slice %arg5[%dma_start3A_520, %dma_start3A_524, %dma_start3A_525] : memref<32x6272x128xf32, #tpu.memory_space<any>> -> memref<1x6272x128xf32, #tpu.memory_space<any>>
    %dma_start3A_527 = tpu.memref_squeeze %dma_start3A_526 : memref<1x6272x128xf32, #tpu.memory_space<any>> -> memref<6272x128xf32, #tpu.memory_space<any>>
    %dma_start3A_528 = arith.constant 0 : i32
    %dma_start3A_529 = arith.constant 0 : i32
    %dma_start3A_530 = tpu.memref_slice %arg6[%get3A_519, %dma_start3A_528, %dma_start3A_529] : memref<4x6272x128xf32, #tpu.memory_space<vmem>> -> memref<1x6272x128xf32, #tpu.memory_space<vmem>>
    %dma_start3A_531 = tpu.memref_squeeze %dma_start3A_530 : memref<1x6272x128xf32, #tpu.memory_space<vmem>> -> memref<6272x128xf32, #tpu.memory_space<vmem>>
    tpu.enqueue_dma source(%dma_start3A_531 : memref<6272x128xf32, #tpu.memory_space<vmem>>) target(%dma_start3A_527 : memref<6272x128xf32, #tpu.memory_space<any>>) target_semaphore(%dma_start3A_523 : memref<!tpu.dma_semaphore, #tpu.memory_space<semaphore_mem>>)
    %get3A_532 = arith.constant 30 : index
    %get3A_533 = memref.load %arg1[%get3A_532] : memref<32xi32, #tpu.memory_space<smem>>
    %dma_start3A_534 = arith.constant 30 : i32
    %dma_start3A_535 = arith.constant 30 : i32
    %dma_start3A_536 = tpu.memref_slice %arg7[%dma_start3A_535] : memref<32x!tpu.dma_semaphore, #tpu.memory_space<semaphore_mem>> -> memref<1x!tpu.dma_semaphore, #tpu.memory_space<semaphore_mem>>
    %dma_start3A_537 = tpu.memref_squeeze %dma_start3A_536 : memref<1x!tpu.dma_semaphore, #tpu.memory_space<semaphore_mem>> -> memref<!tpu.dma_semaphore, #tpu.memory_space<semaphore_mem>>
    %dma_start3A_538 = arith.constant 0 : i32
    %dma_start3A_539 = arith.constant 0 : i32
    %dma_start3A_540 = tpu.memref_slice %arg5[%dma_start3A_534, %dma_start3A_538, %dma_start3A_539] : memref<32x6272x128xf32, #tpu.memory_space<any>> -> memref<1x6272x128xf32, #tpu.memory_space<any>>
    %dma_start3A_541 = tpu.memref_squeeze %dma_start3A_540 : memref<1x6272x128xf32, #tpu.memory_space<any>> -> memref<6272x128xf32, #tpu.memory_space<any>>
    %dma_start3A_542 = arith.constant 0 : i32
    %dma_start3A_543 = arith.constant 0 : i32
    %dma_start3A_544 = tpu.memref_slice %arg6[%get3A_533, %dma_start3A_542, %dma_start3A_543] : memref<4x6272x128xf32, #tpu.memory_space<vmem>> -> memref<1x6272x128xf32, #tpu.memory_space<vmem>>
    %dma_start3A_545 = tpu.memref_squeeze %dma_start3A_544 : memref<1x6272x128xf32, #tpu.memory_space<vmem>> -> memref<6272x128xf32, #tpu.memory_space<vmem>>
    tpu.enqueue_dma source(%dma_start3A_545 : memref<6272x128xf32, #tpu.memory_space<vmem>>) target(%dma_start3A_541 : memref<6272x128xf32, #tpu.memory_space<any>>) target_semaphore(%dma_start3A_537 : memref<!tpu.dma_semaphore, #tpu.memory_space<semaphore_mem>>)
    %get3A_546 = arith.constant 31 : index
    %get3A_547 = memref.load %arg1[%get3A_546] : memref<32xi32, #tpu.memory_space<smem>>
    %dma_start3A_548 = arith.constant 31 : i32
    %dma_start3A_549 = arith.constant 31 : i32
    %dma_start3A_550 = tpu.memref_slice %arg7[%dma_start3A_549] : memref<32x!tpu.dma_semaphore, #tpu.memory_space<semaphore_mem>> -> memref<1x!tpu.dma_semaphore, #tpu.memory_space<semaphore_mem>>
    %dma_start3A_551 = tpu.memref_squeeze %dma_start3A_550 : memref<1x!tpu.dma_semaphore, #tpu.memory_space<semaphore_mem>> -> memref<!tpu.dma_semaphore, #tpu.memory_space<semaphore_mem>>
    %dma_start3A_552 = arith.constant 0 : i32
    %dma_start3A_553 = arith.constant 0 : i32
    %dma_start3A_554 = tpu.memref_slice %arg5[%dma_start3A_548, %dma_start3A_552, %dma_start3A_553] : memref<32x6272x128xf32, #tpu.memory_space<any>> -> memref<1x6272x128xf32, #tpu.memory_space<any>>
    %dma_start3A_555 = tpu.memref_squeeze %dma_start3A_554 : memref<1x6272x128xf32, #tpu.memory_space<any>> -> memref<6272x128xf32, #tpu.memory_space<any>>
    %dma_start3A_556 = arith.constant 0 : i32
    %dma_start3A_557 = arith.constant 0 : i32
    %dma_start3A_558 = tpu.memref_slice %arg6[%get3A_547, %dma_start3A_556, %dma_start3A_557] : memref<4x6272x128xf32, #tpu.memory_space<vmem>> -> memref<1x6272x128xf32, #tpu.memory_space<vmem>>
    %dma_start3A_559 = tpu.memref_squeeze %dma_start3A_558 : memref<1x6272x128xf32, #tpu.memory_space<vmem>> -> memref<6272x128xf32, #tpu.memory_space<vmem>>
    tpu.enqueue_dma source(%dma_start3A_559 : memref<6272x128xf32, #tpu.memory_space<vmem>>) target(%dma_start3A_555 : memref<6272x128xf32, #tpu.memory_space<any>>) target_semaphore(%dma_start3A_551 : memref<!tpu.dma_semaphore, #tpu.memory_space<semaphore_mem>>)
    %get3A_560 = arith.constant 0 : index
    %get3A_561 = memref.load %arg1[%get3A_560] : memref<32xi32, #tpu.memory_space<smem>>
    %dma_wait3A = arith.constant 0 : i32
    %dma_wait3A_562 = arith.constant 0 : i32
    %dma_wait3A_563 = tpu.memref_slice %arg7[%dma_wait3A_562] : memref<32x!tpu.dma_semaphore, #tpu.memory_space<semaphore_mem>> -> memref<1x!tpu.dma_semaphore, #tpu.memory_space<semaphore_mem>>
    %dma_wait3A_564 = tpu.memref_squeeze %dma_wait3A_563 : memref<1x!tpu.dma_semaphore, #tpu.memory_space<semaphore_mem>> -> memref<!tpu.dma_semaphore, #tpu.memory_space<semaphore_mem>>
    %dma_wait3A_565 = arith.constant 0 : i32
    %dma_wait3A_566 = arith.constant 0 : i32
    %dma_wait3A_567 = tpu.memref_slice %arg5[%dma_wait3A, %dma_wait3A_565, %dma_wait3A_566] : memref<32x6272x128xf32, #tpu.memory_space<any>> -> memref<1x6272x128xf32, #tpu.memory_space<any>>
    %dma_wait3A_568 = tpu.memref_squeeze %dma_wait3A_567 : memref<1x6272x128xf32, #tpu.memory_space<any>> -> memref<6272x128xf32, #tpu.memory_space<any>>
    %dma_wait3A_569 = arith.constant 0 : i32
    %dma_wait3A_570 = arith.constant 0 : i32
    %dma_wait3A_571 = tpu.memref_slice %arg6[%get3A_561, %dma_wait3A_569, %dma_wait3A_570] : memref<4x6272x128xf32, #tpu.memory_space<vmem>> -> memref<1x6272x128xf32, #tpu.memory_space<vmem>>
    %dma_wait3A_572 = tpu.memref_squeeze %dma_wait3A_571 : memref<1x6272x128xf32, #tpu.memory_space<vmem>> -> memref<6272x128xf32, #tpu.memory_space<vmem>>
    tpu.wait_dma2 semaphore(%dma_wait3A_564 : memref<!tpu.dma_semaphore, #tpu.memory_space<semaphore_mem>>) src(%dma_wait3A_572 : memref<6272x128xf32, #tpu.memory_space<vmem>>) dst(%dma_wait3A_568 : memref<6272x128xf32, #tpu.memory_space<any>>)
    %get3A_573 = arith.constant 1 : index
    %get3A_574 = memref.load %arg1[%get3A_573] : memref<32xi32, #tpu.memory_space<smem>>
    %dma_wait3A_575 = arith.constant 1 : i32
    %dma_wait3A_576 = arith.constant 1 : i32
    %dma_wait3A_577 = tpu.memref_slice %arg7[%dma_wait3A_576] : memref<32x!tpu.dma_semaphore, #tpu.memory_space<semaphore_mem>> -> memref<1x!tpu.dma_semaphore, #tpu.memory_space<semaphore_mem>>
    %dma_wait3A_578 = tpu.memref_squeeze %dma_wait3A_577 : memref<1x!tpu.dma_semaphore, #tpu.memory_space<semaphore_mem>> -> memref<!tpu.dma_semaphore, #tpu.memory_space<semaphore_mem>>
    %dma_wait3A_579 = arith.constant 0 : i32
    %dma_wait3A_580 = arith.constant 0 : i32
    %dma_wait3A_581 = tpu.memref_slice %arg5[%dma_wait3A_575, %dma_wait3A_579, %dma_wait3A_580] : memref<32x6272x128xf32, #tpu.memory_space<any>> -> memref<1x6272x128xf32, #tpu.memory_space<any>>
    %dma_wait3A_582 = tpu.memref_squeeze %dma_wait3A_581 : memref<1x6272x128xf32, #tpu.memory_space<any>> -> memref<6272x128xf32, #tpu.memory_space<any>>
    %dma_wait3A_583 = arith.constant 0 : i32
    %dma_wait3A_584 = arith.constant 0 : i32
    %dma_wait3A_585 = tpu.memref_slice %arg6[%get3A_574, %dma_wait3A_583, %dma_wait3A_584] : memref<4x6272x128xf32, #tpu.memory_space<vmem>> -> memref<1x6272x128xf32, #tpu.memory_space<vmem>>
    %dma_wait3A_586 = tpu.memref_squeeze %dma_wait3A_585 : memref<1x6272x128xf32, #tpu.memory_space<vmem>> -> memref<6272x128xf32, #tpu.memory_space<vmem>>
    tpu.wait_dma2 semaphore(%dma_wait3A_578 : memref<!tpu.dma_semaphore, #tpu.memory_space<semaphore_mem>>) src(%dma_wait3A_586 : memref<6272x128xf32, #tpu.memory_space<vmem>>) dst(%dma_wait3A_582 : memref<6272x128xf32, #tpu.memory_space<any>>)
    %get3A_587 = arith.constant 2 : index
    %get3A_588 = memref.load %arg1[%get3A_587] : memref<32xi32, #tpu.memory_space<smem>>
    %dma_wait3A_589 = arith.constant 2 : i32
    %dma_wait3A_590 = arith.constant 2 : i32
    %dma_wait3A_591 = tpu.memref_slice %arg7[%dma_wait3A_590] : memref<32x!tpu.dma_semaphore, #tpu.memory_space<semaphore_mem>> -> memref<1x!tpu.dma_semaphore, #tpu.memory_space<semaphore_mem>>
    %dma_wait3A_592 = tpu.memref_squeeze %dma_wait3A_591 : memref<1x!tpu.dma_semaphore, #tpu.memory_space<semaphore_mem>> -> memref<!tpu.dma_semaphore, #tpu.memory_space<semaphore_mem>>
    %dma_wait3A_593 = arith.constant 0 : i32
    %dma_wait3A_594 = arith.constant 0 : i32
    %dma_wait3A_595 = tpu.memref_slice %arg5[%dma_wait3A_589, %dma_wait3A_593, %dma_wait3A_594] : memref<32x6272x128xf32, #tpu.memory_space<any>> -> memref<1x6272x128xf32, #tpu.memory_space<any>>
    %dma_wait3A_596 = tpu.memref_squeeze %dma_wait3A_595 : memref<1x6272x128xf32, #tpu.memory_space<any>> -> memref<6272x128xf32, #tpu.memory_space<any>>
    %dma_wait3A_597 = arith.constant 0 : i32
    %dma_wait3A_598 = arith.constant 0 : i32
    %dma_wait3A_599 = tpu.memref_slice %arg6[%get3A_588, %dma_wait3A_597, %dma_wait3A_598] : memref<4x6272x128xf32, #tpu.memory_space<vmem>> -> memref<1x6272x128xf32, #tpu.memory_space<vmem>>
    %dma_wait3A_600 = tpu.memref_squeeze %dma_wait3A_599 : memref<1x6272x128xf32, #tpu.memory_space<vmem>> -> memref<6272x128xf32, #tpu.memory_space<vmem>>
    tpu.wait_dma2 semaphore(%dma_wait3A_592 : memref<!tpu.dma_semaphore, #tpu.memory_space<semaphore_mem>>) src(%dma_wait3A_600 : memref<6272x128xf32, #tpu.memory_space<vmem>>) dst(%dma_wait3A_596 : memref<6272x128xf32, #tpu.memory_space<any>>)
    %get3A_601 = arith.constant 3 : index
    %get3A_602 = memref.load %arg1[%get3A_601] : memref<32xi32, #tpu.memory_space<smem>>
    %dma_wait3A_603 = arith.constant 3 : i32
    %dma_wait3A_604 = arith.constant 3 : i32
    %dma_wait3A_605 = tpu.memref_slice %arg7[%dma_wait3A_604] : memref<32x!tpu.dma_semaphore, #tpu.memory_space<semaphore_mem>> -> memref<1x!tpu.dma_semaphore, #tpu.memory_space<semaphore_mem>>
    %dma_wait3A_606 = tpu.memref_squeeze %dma_wait3A_605 : memref<1x!tpu.dma_semaphore, #tpu.memory_space<semaphore_mem>> -> memref<!tpu.dma_semaphore, #tpu.memory_space<semaphore_mem>>
    %dma_wait3A_607 = arith.constant 0 : i32
    %dma_wait3A_608 = arith.constant 0 : i32
    %dma_wait3A_609 = tpu.memref_slice %arg5[%dma_wait3A_603, %dma_wait3A_607, %dma_wait3A_608] : memref<32x6272x128xf32, #tpu.memory_space<any>> -> memref<1x6272x128xf32, #tpu.memory_space<any>>
    %dma_wait3A_610 = tpu.memref_squeeze %dma_wait3A_609 : memref<1x6272x128xf32, #tpu.memory_space<any>> -> memref<6272x128xf32, #tpu.memory_space<any>>
    %dma_wait3A_611 = arith.constant 0 : i32
    %dma_wait3A_612 = arith.constant 0 : i32
    %dma_wait3A_613 = tpu.memref_slice %arg6[%get3A_602, %dma_wait3A_611, %dma_wait3A_612] : memref<4x6272x128xf32, #tpu.memory_space<vmem>> -> memref<1x6272x128xf32, #tpu.memory_space<vmem>>
    %dma_wait3A_614 = tpu.memref_squeeze %dma_wait3A_613 : memref<1x6272x128xf32, #tpu.memory_space<vmem>> -> memref<6272x128xf32, #tpu.memory_space<vmem>>
    tpu.wait_dma2 semaphore(%dma_wait3A_606 : memref<!tpu.dma_semaphore, #tpu.memory_space<semaphore_mem>>) src(%dma_wait3A_614 : memref<6272x128xf32, #tpu.memory_space<vmem>>) dst(%dma_wait3A_610 : memref<6272x128xf32, #tpu.memory_space<any>>)
    %get3A_615 = arith.constant 4 : index
    %get3A_616 = memref.load %arg1[%get3A_615] : memref<32xi32, #tpu.memory_space<smem>>
    %dma_wait3A_617 = arith.constant 4 : i32
    %dma_wait3A_618 = arith.constant 4 : i32
    %dma_wait3A_619 = tpu.memref_slice %arg7[%dma_wait3A_618] : memref<32x!tpu.dma_semaphore, #tpu.memory_space<semaphore_mem>> -> memref<1x!tpu.dma_semaphore, #tpu.memory_space<semaphore_mem>>
    %dma_wait3A_620 = tpu.memref_squeeze %dma_wait3A_619 : memref<1x!tpu.dma_semaphore, #tpu.memory_space<semaphore_mem>> -> memref<!tpu.dma_semaphore, #tpu.memory_space<semaphore_mem>>
    %dma_wait3A_621 = arith.constant 0 : i32
    %dma_wait3A_622 = arith.constant 0 : i32
    %dma_wait3A_623 = tpu.memref_slice %arg5[%dma_wait3A_617, %dma_wait3A_621, %dma_wait3A_622] : memref<32x6272x128xf32, #tpu.memory_space<any>> -> memref<1x6272x128xf32, #tpu.memory_space<any>>
    %dma_wait3A_624 = tpu.memref_squeeze %dma_wait3A_623 : memref<1x6272x128xf32, #tpu.memory_space<any>> -> memref<6272x128xf32, #tpu.memory_space<any>>
    %dma_wait3A_625 = arith.constant 0 : i32
    %dma_wait3A_626 = arith.constant 0 : i32
    %dma_wait3A_627 = tpu.memref_slice %arg6[%get3A_616, %dma_wait3A_625, %dma_wait3A_626] : memref<4x6272x128xf32, #tpu.memory_space<vmem>> -> memref<1x6272x128xf32, #tpu.memory_space<vmem>>
    %dma_wait3A_628 = tpu.memref_squeeze %dma_wait3A_627 : memref<1x6272x128xf32, #tpu.memory_space<vmem>> -> memref<6272x128xf32, #tpu.memory_space<vmem>>
    tpu.wait_dma2 semaphore(%dma_wait3A_620 : memref<!tpu.dma_semaphore, #tpu.memory_space<semaphore_mem>>) src(%dma_wait3A_628 : memref<6272x128xf32, #tpu.memory_space<vmem>>) dst(%dma_wait3A_624 : memref<6272x128xf32, #tpu.memory_space<any>>)
    %get3A_629 = arith.constant 5 : index
    %get3A_630 = memref.load %arg1[%get3A_629] : memref<32xi32, #tpu.memory_space<smem>>
    %dma_wait3A_631 = arith.constant 5 : i32
    %dma_wait3A_632 = arith.constant 5 : i32
    %dma_wait3A_633 = tpu.memref_slice %arg7[%dma_wait3A_632] : memref<32x!tpu.dma_semaphore, #tpu.memory_space<semaphore_mem>> -> memref<1x!tpu.dma_semaphore, #tpu.memory_space<semaphore_mem>>
    %dma_wait3A_634 = tpu.memref_squeeze %dma_wait3A_633 : memref<1x!tpu.dma_semaphore, #tpu.memory_space<semaphore_mem>> -> memref<!tpu.dma_semaphore, #tpu.memory_space<semaphore_mem>>
    %dma_wait3A_635 = arith.constant 0 : i32
    %dma_wait3A_636 = arith.constant 0 : i32
    %dma_wait3A_637 = tpu.memref_slice %arg5[%dma_wait3A_631, %dma_wait3A_635, %dma_wait3A_636] : memref<32x6272x128xf32, #tpu.memory_space<any>> -> memref<1x6272x128xf32, #tpu.memory_space<any>>
    %dma_wait3A_638 = tpu.memref_squeeze %dma_wait3A_637 : memref<1x6272x128xf32, #tpu.memory_space<any>> -> memref<6272x128xf32, #tpu.memory_space<any>>
    %dma_wait3A_639 = arith.constant 0 : i32
    %dma_wait3A_640 = arith.constant 0 : i32
    %dma_wait3A_641 = tpu.memref_slice %arg6[%get3A_630, %dma_wait3A_639, %dma_wait3A_640] : memref<4x6272x128xf32, #tpu.memory_space<vmem>> -> memref<1x6272x128xf32, #tpu.memory_space<vmem>>
    %dma_wait3A_642 = tpu.memref_squeeze %dma_wait3A_641 : memref<1x6272x128xf32, #tpu.memory_space<vmem>> -> memref<6272x128xf32, #tpu.memory_space<vmem>>
    tpu.wait_dma2 semaphore(%dma_wait3A_634 : memref<!tpu.dma_semaphore, #tpu.memory_space<semaphore_mem>>) src(%dma_wait3A_642 : memref<6272x128xf32, #tpu.memory_space<vmem>>) dst(%dma_wait3A_638 : memref<6272x128xf32, #tpu.memory_space<any>>)
    %get3A_643 = arith.constant 6 : index
    %get3A_644 = memref.load %arg1[%get3A_643] : memref<32xi32, #tpu.memory_space<smem>>
    %dma_wait3A_645 = arith.constant 6 : i32
    %dma_wait3A_646 = arith.constant 6 : i32
    %dma_wait3A_647 = tpu.memref_slice %arg7[%dma_wait3A_646] : memref<32x!tpu.dma_semaphore, #tpu.memory_space<semaphore_mem>> -> memref<1x!tpu.dma_semaphore, #tpu.memory_space<semaphore_mem>>
    %dma_wait3A_648 = tpu.memref_squeeze %dma_wait3A_647 : memref<1x!tpu.dma_semaphore, #tpu.memory_space<semaphore_mem>> -> memref<!tpu.dma_semaphore, #tpu.memory_space<semaphore_mem>>
    %dma_wait3A_649 = arith.constant 0 : i32
    %dma_wait3A_650 = arith.constant 0 : i32
    %dma_wait3A_651 = tpu.memref_slice %arg5[%dma_wait3A_645, %dma_wait3A_649, %dma_wait3A_650] : memref<32x6272x128xf32, #tpu.memory_space<any>> -> memref<1x6272x128xf32, #tpu.memory_space<any>>
    %dma_wait3A_652 = tpu.memref_squeeze %dma_wait3A_651 : memref<1x6272x128xf32, #tpu.memory_space<any>> -> memref<6272x128xf32, #tpu.memory_space<any>>
    %dma_wait3A_653 = arith.constant 0 : i32
    %dma_wait3A_654 = arith.constant 0 : i32
    %dma_wait3A_655 = tpu.memref_slice %arg6[%get3A_644, %dma_wait3A_653, %dma_wait3A_654] : memref<4x6272x128xf32, #tpu.memory_space<vmem>> -> memref<1x6272x128xf32, #tpu.memory_space<vmem>>
    %dma_wait3A_656 = tpu.memref_squeeze %dma_wait3A_655 : memref<1x6272x128xf32, #tpu.memory_space<vmem>> -> memref<6272x128xf32, #tpu.memory_space<vmem>>
    tpu.wait_dma2 semaphore(%dma_wait3A_648 : memref<!tpu.dma_semaphore, #tpu.memory_space<semaphore_mem>>) src(%dma_wait3A_656 : memref<6272x128xf32, #tpu.memory_space<vmem>>) dst(%dma_wait3A_652 : memref<6272x128xf32, #tpu.memory_space<any>>)
    %get3A_657 = arith.constant 7 : index
    %get3A_658 = memref.load %arg1[%get3A_657] : memref<32xi32, #tpu.memory_space<smem>>
    %dma_wait3A_659 = arith.constant 7 : i32
    %dma_wait3A_660 = arith.constant 7 : i32
    %dma_wait3A_661 = tpu.memref_slice %arg7[%dma_wait3A_660] : memref<32x!tpu.dma_semaphore, #tpu.memory_space<semaphore_mem>> -> memref<1x!tpu.dma_semaphore, #tpu.memory_space<semaphore_mem>>
    %dma_wait3A_662 = tpu.memref_squeeze %dma_wait3A_661 : memref<1x!tpu.dma_semaphore, #tpu.memory_space<semaphore_mem>> -> memref<!tpu.dma_semaphore, #tpu.memory_space<semaphore_mem>>
    %dma_wait3A_663 = arith.constant 0 : i32
    %dma_wait3A_664 = arith.constant 0 : i32
    %dma_wait3A_665 = tpu.memref_slice %arg5[%dma_wait3A_659, %dma_wait3A_663, %dma_wait3A_664] : memref<32x6272x128xf32, #tpu.memory_space<any>> -> memref<1x6272x128xf32, #tpu.memory_space<any>>
    %dma_wait3A_666 = tpu.memref_squeeze %dma_wait3A_665 : memref<1x6272x128xf32, #tpu.memory_space<any>> -> memref<6272x128xf32, #tpu.memory_space<any>>
    %dma_wait3A_667 = arith.constant 0 : i32
    %dma_wait3A_668 = arith.constant 0 : i32
    %dma_wait3A_669 = tpu.memref_slice %arg6[%get3A_658, %dma_wait3A_667, %dma_wait3A_668] : memref<4x6272x128xf32, #tpu.memory_space<vmem>> -> memref<1x6272x128xf32, #tpu.memory_space<vmem>>
    %dma_wait3A_670 = tpu.memref_squeeze %dma_wait3A_669 : memref<1x6272x128xf32, #tpu.memory_space<vmem>> -> memref<6272x128xf32, #tpu.memory_space<vmem>>
    tpu.wait_dma2 semaphore(%dma_wait3A_662 : memref<!tpu.dma_semaphore, #tpu.memory_space<semaphore_mem>>) src(%dma_wait3A_670 : memref<6272x128xf32, #tpu.memory_space<vmem>>) dst(%dma_wait3A_666 : memref<6272x128xf32, #tpu.memory_space<any>>)
    %get3A_671 = arith.constant 8 : index
    %get3A_672 = memref.load %arg1[%get3A_671] : memref<32xi32, #tpu.memory_space<smem>>
    %dma_wait3A_673 = arith.constant 8 : i32
    %dma_wait3A_674 = arith.constant 8 : i32
    %dma_wait3A_675 = tpu.memref_slice %arg7[%dma_wait3A_674] : memref<32x!tpu.dma_semaphore, #tpu.memory_space<semaphore_mem>> -> memref<1x!tpu.dma_semaphore, #tpu.memory_space<semaphore_mem>>
    %dma_wait3A_676 = tpu.memref_squeeze %dma_wait3A_675 : memref<1x!tpu.dma_semaphore, #tpu.memory_space<semaphore_mem>> -> memref<!tpu.dma_semaphore, #tpu.memory_space<semaphore_mem>>
    %dma_wait3A_677 = arith.constant 0 : i32
    %dma_wait3A_678 = arith.constant 0 : i32
    %dma_wait3A_679 = tpu.memref_slice %arg5[%dma_wait3A_673, %dma_wait3A_677, %dma_wait3A_678] : memref<32x6272x128xf32, #tpu.memory_space<any>> -> memref<1x6272x128xf32, #tpu.memory_space<any>>
    %dma_wait3A_680 = tpu.memref_squeeze %dma_wait3A_679 : memref<1x6272x128xf32, #tpu.memory_space<any>> -> memref<6272x128xf32, #tpu.memory_space<any>>
    %dma_wait3A_681 = arith.constant 0 : i32
    %dma_wait3A_682 = arith.constant 0 : i32
    %dma_wait3A_683 = tpu.memref_slice %arg6[%get3A_672, %dma_wait3A_681, %dma_wait3A_682] : memref<4x6272x128xf32, #tpu.memory_space<vmem>> -> memref<1x6272x128xf32, #tpu.memory_space<vmem>>
    %dma_wait3A_684 = tpu.memref_squeeze %dma_wait3A_683 : memref<1x6272x128xf32, #tpu.memory_space<vmem>> -> memref<6272x128xf32, #tpu.memory_space<vmem>>
    tpu.wait_dma2 semaphore(%dma_wait3A_676 : memref<!tpu.dma_semaphore, #tpu.memory_space<semaphore_mem>>) src(%dma_wait3A_684 : memref<6272x128xf32, #tpu.memory_space<vmem>>) dst(%dma_wait3A_680 : memref<6272x128xf32, #tpu.memory_space<any>>)
    %get3A_685 = arith.constant 9 : index
    %get3A_686 = memref.load %arg1[%get3A_685] : memref<32xi32, #tpu.memory_space<smem>>
    %dma_wait3A_687 = arith.constant 9 : i32
    %dma_wait3A_688 = arith.constant 9 : i32
    %dma_wait3A_689 = tpu.memref_slice %arg7[%dma_wait3A_688] : memref<32x!tpu.dma_semaphore, #tpu.memory_space<semaphore_mem>> -> memref<1x!tpu.dma_semaphore, #tpu.memory_space<semaphore_mem>>
    %dma_wait3A_690 = tpu.memref_squeeze %dma_wait3A_689 : memref<1x!tpu.dma_semaphore, #tpu.memory_space<semaphore_mem>> -> memref<!tpu.dma_semaphore, #tpu.memory_space<semaphore_mem>>
    %dma_wait3A_691 = arith.constant 0 : i32
    %dma_wait3A_692 = arith.constant 0 : i32
    %dma_wait3A_693 = tpu.memref_slice %arg5[%dma_wait3A_687, %dma_wait3A_691, %dma_wait3A_692] : memref<32x6272x128xf32, #tpu.memory_space<any>> -> memref<1x6272x128xf32, #tpu.memory_space<any>>
    %dma_wait3A_694 = tpu.memref_squeeze %dma_wait3A_693 : memref<1x6272x128xf32, #tpu.memory_space<any>> -> memref<6272x128xf32, #tpu.memory_space<any>>
    %dma_wait3A_695 = arith.constant 0 : i32
    %dma_wait3A_696 = arith.constant 0 : i32
    %dma_wait3A_697 = tpu.memref_slice %arg6[%get3A_686, %dma_wait3A_695, %dma_wait3A_696] : memref<4x6272x128xf32, #tpu.memory_space<vmem>> -> memref<1x6272x128xf32, #tpu.memory_space<vmem>>
    %dma_wait3A_698 = tpu.memref_squeeze %dma_wait3A_697 : memref<1x6272x128xf32, #tpu.memory_space<vmem>> -> memref<6272x128xf32, #tpu.memory_space<vmem>>
    tpu.wait_dma2 semaphore(%dma_wait3A_690 : memref<!tpu.dma_semaphore, #tpu.memory_space<semaphore_mem>>) src(%dma_wait3A_698 : memref<6272x128xf32, #tpu.memory_space<vmem>>) dst(%dma_wait3A_694 : memref<6272x128xf32, #tpu.memory_space<any>>)
    %get3A_699 = arith.constant 10 : index
    %get3A_700 = memref.load %arg1[%get3A_699] : memref<32xi32, #tpu.memory_space<smem>>
    %dma_wait3A_701 = arith.constant 10 : i32
    %dma_wait3A_702 = arith.constant 10 : i32
    %dma_wait3A_703 = tpu.memref_slice %arg7[%dma_wait3A_702] : memref<32x!tpu.dma_semaphore, #tpu.memory_space<semaphore_mem>> -> memref<1x!tpu.dma_semaphore, #tpu.memory_space<semaphore_mem>>
    %dma_wait3A_704 = tpu.memref_squeeze %dma_wait3A_703 : memref<1x!tpu.dma_semaphore, #tpu.memory_space<semaphore_mem>> -> memref<!tpu.dma_semaphore, #tpu.memory_space<semaphore_mem>>
    %dma_wait3A_705 = arith.constant 0 : i32
    %dma_wait3A_706 = arith.constant 0 : i32
    %dma_wait3A_707 = tpu.memref_slice %arg5[%dma_wait3A_701, %dma_wait3A_705, %dma_wait3A_706] : memref<32x6272x128xf32, #tpu.memory_space<any>> -> memref<1x6272x128xf32, #tpu.memory_space<any>>
    %dma_wait3A_708 = tpu.memref_squeeze %dma_wait3A_707 : memref<1x6272x128xf32, #tpu.memory_space<any>> -> memref<6272x128xf32, #tpu.memory_space<any>>
    %dma_wait3A_709 = arith.constant 0 : i32
    %dma_wait3A_710 = arith.constant 0 : i32
    %dma_wait3A_711 = tpu.memref_slice %arg6[%get3A_700, %dma_wait3A_709, %dma_wait3A_710] : memref<4x6272x128xf32, #tpu.memory_space<vmem>> -> memref<1x6272x128xf32, #tpu.memory_space<vmem>>
    %dma_wait3A_712 = tpu.memref_squeeze %dma_wait3A_711 : memref<1x6272x128xf32, #tpu.memory_space<vmem>> -> memref<6272x128xf32, #tpu.memory_space<vmem>>
    tpu.wait_dma2 semaphore(%dma_wait3A_704 : memref<!tpu.dma_semaphore, #tpu.memory_space<semaphore_mem>>) src(%dma_wait3A_712 : memref<6272x128xf32, #tpu.memory_space<vmem>>) dst(%dma_wait3A_708 : memref<6272x128xf32, #tpu.memory_space<any>>)
    %get3A_713 = arith.constant 11 : index
    %get3A_714 = memref.load %arg1[%get3A_713] : memref<32xi32, #tpu.memory_space<smem>>
    %dma_wait3A_715 = arith.constant 11 : i32
    %dma_wait3A_716 = arith.constant 11 : i32
    %dma_wait3A_717 = tpu.memref_slice %arg7[%dma_wait3A_716] : memref<32x!tpu.dma_semaphore, #tpu.memory_space<semaphore_mem>> -> memref<1x!tpu.dma_semaphore, #tpu.memory_space<semaphore_mem>>
    %dma_wait3A_718 = tpu.memref_squeeze %dma_wait3A_717 : memref<1x!tpu.dma_semaphore, #tpu.memory_space<semaphore_mem>> -> memref<!tpu.dma_semaphore, #tpu.memory_space<semaphore_mem>>
    %dma_wait3A_719 = arith.constant 0 : i32
    %dma_wait3A_720 = arith.constant 0 : i32
    %dma_wait3A_721 = tpu.memref_slice %arg5[%dma_wait3A_715, %dma_wait3A_719, %dma_wait3A_720] : memref<32x6272x128xf32, #tpu.memory_space<any>> -> memref<1x6272x128xf32, #tpu.memory_space<any>>
    %dma_wait3A_722 = tpu.memref_squeeze %dma_wait3A_721 : memref<1x6272x128xf32, #tpu.memory_space<any>> -> memref<6272x128xf32, #tpu.memory_space<any>>
    %dma_wait3A_723 = arith.constant 0 : i32
    %dma_wait3A_724 = arith.constant 0 : i32
    %dma_wait3A_725 = tpu.memref_slice %arg6[%get3A_714, %dma_wait3A_723, %dma_wait3A_724] : memref<4x6272x128xf32, #tpu.memory_space<vmem>> -> memref<1x6272x128xf32, #tpu.memory_space<vmem>>
    %dma_wait3A_726 = tpu.memref_squeeze %dma_wait3A_725 : memref<1x6272x128xf32, #tpu.memory_space<vmem>> -> memref<6272x128xf32, #tpu.memory_space<vmem>>
    tpu.wait_dma2 semaphore(%dma_wait3A_718 : memref<!tpu.dma_semaphore, #tpu.memory_space<semaphore_mem>>) src(%dma_wait3A_726 : memref<6272x128xf32, #tpu.memory_space<vmem>>) dst(%dma_wait3A_722 : memref<6272x128xf32, #tpu.memory_space<any>>)
    %get3A_727 = arith.constant 12 : index
    %get3A_728 = memref.load %arg1[%get3A_727] : memref<32xi32, #tpu.memory_space<smem>>
    %dma_wait3A_729 = arith.constant 12 : i32
    %dma_wait3A_730 = arith.constant 12 : i32
    %dma_wait3A_731 = tpu.memref_slice %arg7[%dma_wait3A_730] : memref<32x!tpu.dma_semaphore, #tpu.memory_space<semaphore_mem>> -> memref<1x!tpu.dma_semaphore, #tpu.memory_space<semaphore_mem>>
    %dma_wait3A_732 = tpu.memref_squeeze %dma_wait3A_731 : memref<1x!tpu.dma_semaphore, #tpu.memory_space<semaphore_mem>> -> memref<!tpu.dma_semaphore, #tpu.memory_space<semaphore_mem>>
    %dma_wait3A_733 = arith.constant 0 : i32
    %dma_wait3A_734 = arith.constant 0 : i32
    %dma_wait3A_735 = tpu.memref_slice %arg5[%dma_wait3A_729, %dma_wait3A_733, %dma_wait3A_734] : memref<32x6272x128xf32, #tpu.memory_space<any>> -> memref<1x6272x128xf32, #tpu.memory_space<any>>
    %dma_wait3A_736 = tpu.memref_squeeze %dma_wait3A_735 : memref<1x6272x128xf32, #tpu.memory_space<any>> -> memref<6272x128xf32, #tpu.memory_space<any>>
    %dma_wait3A_737 = arith.constant 0 : i32
    %dma_wait3A_738 = arith.constant 0 : i32
    %dma_wait3A_739 = tpu.memref_slice %arg6[%get3A_728, %dma_wait3A_737, %dma_wait3A_738] : memref<4x6272x128xf32, #tpu.memory_space<vmem>> -> memref<1x6272x128xf32, #tpu.memory_space<vmem>>
    %dma_wait3A_740 = tpu.memref_squeeze %dma_wait3A_739 : memref<1x6272x128xf32, #tpu.memory_space<vmem>> -> memref<6272x128xf32, #tpu.memory_space<vmem>>
    tpu.wait_dma2 semaphore(%dma_wait3A_732 : memref<!tpu.dma_semaphore, #tpu.memory_space<semaphore_mem>>) src(%dma_wait3A_740 : memref<6272x128xf32, #tpu.memory_space<vmem>>) dst(%dma_wait3A_736 : memref<6272x128xf32, #tpu.memory_space<any>>)
    %get3A_741 = arith.constant 13 : index
    %get3A_742 = memref.load %arg1[%get3A_741] : memref<32xi32, #tpu.memory_space<smem>>
    %dma_wait3A_743 = arith.constant 13 : i32
    %dma_wait3A_744 = arith.constant 13 : i32
    %dma_wait3A_745 = tpu.memref_slice %arg7[%dma_wait3A_744] : memref<32x!tpu.dma_semaphore, #tpu.memory_space<semaphore_mem>> -> memref<1x!tpu.dma_semaphore, #tpu.memory_space<semaphore_mem>>
    %dma_wait3A_746 = tpu.memref_squeeze %dma_wait3A_745 : memref<1x!tpu.dma_semaphore, #tpu.memory_space<semaphore_mem>> -> memref<!tpu.dma_semaphore, #tpu.memory_space<semaphore_mem>>
    %dma_wait3A_747 = arith.constant 0 : i32
    %dma_wait3A_748 = arith.constant 0 : i32
    %dma_wait3A_749 = tpu.memref_slice %arg5[%dma_wait3A_743, %dma_wait3A_747, %dma_wait3A_748] : memref<32x6272x128xf32, #tpu.memory_space<any>> -> memref<1x6272x128xf32, #tpu.memory_space<any>>
    %dma_wait3A_750 = tpu.memref_squeeze %dma_wait3A_749 : memref<1x6272x128xf32, #tpu.memory_space<any>> -> memref<6272x128xf32, #tpu.memory_space<any>>
    %dma_wait3A_751 = arith.constant 0 : i32
    %dma_wait3A_752 = arith.constant 0 : i32
    %dma_wait3A_753 = tpu.memref_slice %arg6[%get3A_742, %dma_wait3A_751, %dma_wait3A_752] : memref<4x6272x128xf32, #tpu.memory_space<vmem>> -> memref<1x6272x128xf32, #tpu.memory_space<vmem>>
    %dma_wait3A_754 = tpu.memref_squeeze %dma_wait3A_753 : memref<1x6272x128xf32, #tpu.memory_space<vmem>> -> memref<6272x128xf32, #tpu.memory_space<vmem>>
    tpu.wait_dma2 semaphore(%dma_wait3A_746 : memref<!tpu.dma_semaphore, #tpu.memory_space<semaphore_mem>>) src(%dma_wait3A_754 : memref<6272x128xf32, #tpu.memory_space<vmem>>) dst(%dma_wait3A_750 : memref<6272x128xf32, #tpu.memory_space<any>>)
    %get3A_755 = arith.constant 14 : index
    %get3A_756 = memref.load %arg1[%get3A_755] : memref<32xi32, #tpu.memory_space<smem>>
    %dma_wait3A_757 = arith.constant 14 : i32
    %dma_wait3A_758 = arith.constant 14 : i32
    %dma_wait3A_759 = tpu.memref_slice %arg7[%dma_wait3A_758] : memref<32x!tpu.dma_semaphore, #tpu.memory_space<semaphore_mem>> -> memref<1x!tpu.dma_semaphore, #tpu.memory_space<semaphore_mem>>
    %dma_wait3A_760 = tpu.memref_squeeze %dma_wait3A_759 : memref<1x!tpu.dma_semaphore, #tpu.memory_space<semaphore_mem>> -> memref<!tpu.dma_semaphore, #tpu.memory_space<semaphore_mem>>
    %dma_wait3A_761 = arith.constant 0 : i32
    %dma_wait3A_762 = arith.constant 0 : i32
    %dma_wait3A_763 = tpu.memref_slice %arg5[%dma_wait3A_757, %dma_wait3A_761, %dma_wait3A_762] : memref<32x6272x128xf32, #tpu.memory_space<any>> -> memref<1x6272x128xf32, #tpu.memory_space<any>>
    %dma_wait3A_764 = tpu.memref_squeeze %dma_wait3A_763 : memref<1x6272x128xf32, #tpu.memory_space<any>> -> memref<6272x128xf32, #tpu.memory_space<any>>
    %dma_wait3A_765 = arith.constant 0 : i32
    %dma_wait3A_766 = arith.constant 0 : i32
    %dma_wait3A_767 = tpu.memref_slice %arg6[%get3A_756, %dma_wait3A_765, %dma_wait3A_766] : memref<4x6272x128xf32, #tpu.memory_space<vmem>> -> memref<1x6272x128xf32, #tpu.memory_space<vmem>>
    %dma_wait3A_768 = tpu.memref_squeeze %dma_wait3A_767 : memref<1x6272x128xf32, #tpu.memory_space<vmem>> -> memref<6272x128xf32, #tpu.memory_space<vmem>>
    tpu.wait_dma2 semaphore(%dma_wait3A_760 : memref<!tpu.dma_semaphore, #tpu.memory_space<semaphore_mem>>) src(%dma_wait3A_768 : memref<6272x128xf32, #tpu.memory_space<vmem>>) dst(%dma_wait3A_764 : memref<6272x128xf32, #tpu.memory_space<any>>)
    %get3A_769 = arith.constant 15 : index
    %get3A_770 = memref.load %arg1[%get3A_769] : memref<32xi32, #tpu.memory_space<smem>>
    %dma_wait3A_771 = arith.constant 15 : i32
    %dma_wait3A_772 = arith.constant 15 : i32
    %dma_wait3A_773 = tpu.memref_slice %arg7[%dma_wait3A_772] : memref<32x!tpu.dma_semaphore, #tpu.memory_space<semaphore_mem>> -> memref<1x!tpu.dma_semaphore, #tpu.memory_space<semaphore_mem>>
    %dma_wait3A_774 = tpu.memref_squeeze %dma_wait3A_773 : memref<1x!tpu.dma_semaphore, #tpu.memory_space<semaphore_mem>> -> memref<!tpu.dma_semaphore, #tpu.memory_space<semaphore_mem>>
    %dma_wait3A_775 = arith.constant 0 : i32
    %dma_wait3A_776 = arith.constant 0 : i32
    %dma_wait3A_777 = tpu.memref_slice %arg5[%dma_wait3A_771, %dma_wait3A_775, %dma_wait3A_776] : memref<32x6272x128xf32, #tpu.memory_space<any>> -> memref<1x6272x128xf32, #tpu.memory_space<any>>
    %dma_wait3A_778 = tpu.memref_squeeze %dma_wait3A_777 : memref<1x6272x128xf32, #tpu.memory_space<any>> -> memref<6272x128xf32, #tpu.memory_space<any>>
    %dma_wait3A_779 = arith.constant 0 : i32
    %dma_wait3A_780 = arith.constant 0 : i32
    %dma_wait3A_781 = tpu.memref_slice %arg6[%get3A_770, %dma_wait3A_779, %dma_wait3A_780] : memref<4x6272x128xf32, #tpu.memory_space<vmem>> -> memref<1x6272x128xf32, #tpu.memory_space<vmem>>
    %dma_wait3A_782 = tpu.memref_squeeze %dma_wait3A_781 : memref<1x6272x128xf32, #tpu.memory_space<vmem>> -> memref<6272x128xf32, #tpu.memory_space<vmem>>
    tpu.wait_dma2 semaphore(%dma_wait3A_774 : memref<!tpu.dma_semaphore, #tpu.memory_space<semaphore_mem>>) src(%dma_wait3A_782 : memref<6272x128xf32, #tpu.memory_space<vmem>>) dst(%dma_wait3A_778 : memref<6272x128xf32, #tpu.memory_space<any>>)
    %get3A_783 = arith.constant 16 : index
    %get3A_784 = memref.load %arg1[%get3A_783] : memref<32xi32, #tpu.memory_space<smem>>
    %dma_wait3A_785 = arith.constant 16 : i32
    %dma_wait3A_786 = arith.constant 16 : i32
    %dma_wait3A_787 = tpu.memref_slice %arg7[%dma_wait3A_786] : memref<32x!tpu.dma_semaphore, #tpu.memory_space<semaphore_mem>> -> memref<1x!tpu.dma_semaphore, #tpu.memory_space<semaphore_mem>>
    %dma_wait3A_788 = tpu.memref_squeeze %dma_wait3A_787 : memref<1x!tpu.dma_semaphore, #tpu.memory_space<semaphore_mem>> -> memref<!tpu.dma_semaphore, #tpu.memory_space<semaphore_mem>>
    %dma_wait3A_789 = arith.constant 0 : i32
    %dma_wait3A_790 = arith.constant 0 : i32
    %dma_wait3A_791 = tpu.memref_slice %arg5[%dma_wait3A_785, %dma_wait3A_789, %dma_wait3A_790] : memref<32x6272x128xf32, #tpu.memory_space<any>> -> memref<1x6272x128xf32, #tpu.memory_space<any>>
    %dma_wait3A_792 = tpu.memref_squeeze %dma_wait3A_791 : memref<1x6272x128xf32, #tpu.memory_space<any>> -> memref<6272x128xf32, #tpu.memory_space<any>>
    %dma_wait3A_793 = arith.constant 0 : i32
    %dma_wait3A_794 = arith.constant 0 : i32
    %dma_wait3A_795 = tpu.memref_slice %arg6[%get3A_784, %dma_wait3A_793, %dma_wait3A_794] : memref<4x6272x128xf32, #tpu.memory_space<vmem>> -> memref<1x6272x128xf32, #tpu.memory_space<vmem>>
    %dma_wait3A_796 = tpu.memref_squeeze %dma_wait3A_795 : memref<1x6272x128xf32, #tpu.memory_space<vmem>> -> memref<6272x128xf32, #tpu.memory_space<vmem>>
    tpu.wait_dma2 semaphore(%dma_wait3A_788 : memref<!tpu.dma_semaphore, #tpu.memory_space<semaphore_mem>>) src(%dma_wait3A_796 : memref<6272x128xf32, #tpu.memory_space<vmem>>) dst(%dma_wait3A_792 : memref<6272x128xf32, #tpu.memory_space<any>>)
    %get3A_797 = arith.constant 17 : index
    %get3A_798 = memref.load %arg1[%get3A_797] : memref<32xi32, #tpu.memory_space<smem>>
    %dma_wait3A_799 = arith.constant 17 : i32
    %dma_wait3A_800 = arith.constant 17 : i32
    %dma_wait3A_801 = tpu.memref_slice %arg7[%dma_wait3A_800] : memref<32x!tpu.dma_semaphore, #tpu.memory_space<semaphore_mem>> -> memref<1x!tpu.dma_semaphore, #tpu.memory_space<semaphore_mem>>
    %dma_wait3A_802 = tpu.memref_squeeze %dma_wait3A_801 : memref<1x!tpu.dma_semaphore, #tpu.memory_space<semaphore_mem>> -> memref<!tpu.dma_semaphore, #tpu.memory_space<semaphore_mem>>
    %dma_wait3A_803 = arith.constant 0 : i32
    %dma_wait3A_804 = arith.constant 0 : i32
    %dma_wait3A_805 = tpu.memref_slice %arg5[%dma_wait3A_799, %dma_wait3A_803, %dma_wait3A_804] : memref<32x6272x128xf32, #tpu.memory_space<any>> -> memref<1x6272x128xf32, #tpu.memory_space<any>>
    %dma_wait3A_806 = tpu.memref_squeeze %dma_wait3A_805 : memref<1x6272x128xf32, #tpu.memory_space<any>> -> memref<6272x128xf32, #tpu.memory_space<any>>
    %dma_wait3A_807 = arith.constant 0 : i32
    %dma_wait3A_808 = arith.constant 0 : i32
    %dma_wait3A_809 = tpu.memref_slice %arg6[%get3A_798, %dma_wait3A_807, %dma_wait3A_808] : memref<4x6272x128xf32, #tpu.memory_space<vmem>> -> memref<1x6272x128xf32, #tpu.memory_space<vmem>>
    %dma_wait3A_810 = tpu.memref_squeeze %dma_wait3A_809 : memref<1x6272x128xf32, #tpu.memory_space<vmem>> -> memref<6272x128xf32, #tpu.memory_space<vmem>>
    tpu.wait_dma2 semaphore(%dma_wait3A_802 : memref<!tpu.dma_semaphore, #tpu.memory_space<semaphore_mem>>) src(%dma_wait3A_810 : memref<6272x128xf32, #tpu.memory_space<vmem>>) dst(%dma_wait3A_806 : memref<6272x128xf32, #tpu.memory_space<any>>)
    %get3A_811 = arith.constant 18 : index
    %get3A_812 = memref.load %arg1[%get3A_811] : memref<32xi32, #tpu.memory_space<smem>>
    %dma_wait3A_813 = arith.constant 18 : i32
    %dma_wait3A_814 = arith.constant 18 : i32
    %dma_wait3A_815 = tpu.memref_slice %arg7[%dma_wait3A_814] : memref<32x!tpu.dma_semaphore, #tpu.memory_space<semaphore_mem>> -> memref<1x!tpu.dma_semaphore, #tpu.memory_space<semaphore_mem>>
    %dma_wait3A_816 = tpu.memref_squeeze %dma_wait3A_815 : memref<1x!tpu.dma_semaphore, #tpu.memory_space<semaphore_mem>> -> memref<!tpu.dma_semaphore, #tpu.memory_space<semaphore_mem>>
    %dma_wait3A_817 = arith.constant 0 : i32
    %dma_wait3A_818 = arith.constant 0 : i32
    %dma_wait3A_819 = tpu.memref_slice %arg5[%dma_wait3A_813, %dma_wait3A_817, %dma_wait3A_818] : memref<32x6272x128xf32, #tpu.memory_space<any>> -> memref<1x6272x128xf32, #tpu.memory_space<any>>
    %dma_wait3A_820 = tpu.memref_squeeze %dma_wait3A_819 : memref<1x6272x128xf32, #tpu.memory_space<any>> -> memref<6272x128xf32, #tpu.memory_space<any>>
    %dma_wait3A_821 = arith.constant 0 : i32
    %dma_wait3A_822 = arith.constant 0 : i32
    %dma_wait3A_823 = tpu.memref_slice %arg6[%get3A_812, %dma_wait3A_821, %dma_wait3A_822] : memref<4x6272x128xf32, #tpu.memory_space<vmem>> -> memref<1x6272x128xf32, #tpu.memory_space<vmem>>
    %dma_wait3A_824 = tpu.memref_squeeze %dma_wait3A_823 : memref<1x6272x128xf32, #tpu.memory_space<vmem>> -> memref<6272x128xf32, #tpu.memory_space<vmem>>
    tpu.wait_dma2 semaphore(%dma_wait3A_816 : memref<!tpu.dma_semaphore, #tpu.memory_space<semaphore_mem>>) src(%dma_wait3A_824 : memref<6272x128xf32, #tpu.memory_space<vmem>>) dst(%dma_wait3A_820 : memref<6272x128xf32, #tpu.memory_space<any>>)
    %get3A_825 = arith.constant 19 : index
    %get3A_826 = memref.load %arg1[%get3A_825] : memref<32xi32, #tpu.memory_space<smem>>
    %dma_wait3A_827 = arith.constant 19 : i32
    %dma_wait3A_828 = arith.constant 19 : i32
    %dma_wait3A_829 = tpu.memref_slice %arg7[%dma_wait3A_828] : memref<32x!tpu.dma_semaphore, #tpu.memory_space<semaphore_mem>> -> memref<1x!tpu.dma_semaphore, #tpu.memory_space<semaphore_mem>>
    %dma_wait3A_830 = tpu.memref_squeeze %dma_wait3A_829 : memref<1x!tpu.dma_semaphore, #tpu.memory_space<semaphore_mem>> -> memref<!tpu.dma_semaphore, #tpu.memory_space<semaphore_mem>>
    %dma_wait3A_831 = arith.constant 0 : i32
    %dma_wait3A_832 = arith.constant 0 : i32
    %dma_wait3A_833 = tpu.memref_slice %arg5[%dma_wait3A_827, %dma_wait3A_831, %dma_wait3A_832] : memref<32x6272x128xf32, #tpu.memory_space<any>> -> memref<1x6272x128xf32, #tpu.memory_space<any>>
    %dma_wait3A_834 = tpu.memref_squeeze %dma_wait3A_833 : memref<1x6272x128xf32, #tpu.memory_space<any>> -> memref<6272x128xf32, #tpu.memory_space<any>>
    %dma_wait3A_835 = arith.constant 0 : i32
    %dma_wait3A_836 = arith.constant 0 : i32
    %dma_wait3A_837 = tpu.memref_slice %arg6[%get3A_826, %dma_wait3A_835, %dma_wait3A_836] : memref<4x6272x128xf32, #tpu.memory_space<vmem>> -> memref<1x6272x128xf32, #tpu.memory_space<vmem>>
    %dma_wait3A_838 = tpu.memref_squeeze %dma_wait3A_837 : memref<1x6272x128xf32, #tpu.memory_space<vmem>> -> memref<6272x128xf32, #tpu.memory_space<vmem>>
    tpu.wait_dma2 semaphore(%dma_wait3A_830 : memref<!tpu.dma_semaphore, #tpu.memory_space<semaphore_mem>>) src(%dma_wait3A_838 : memref<6272x128xf32, #tpu.memory_space<vmem>>) dst(%dma_wait3A_834 : memref<6272x128xf32, #tpu.memory_space<any>>)
    %get3A_839 = arith.constant 20 : index
    %get3A_840 = memref.load %arg1[%get3A_839] : memref<32xi32, #tpu.memory_space<smem>>
    %dma_wait3A_841 = arith.constant 20 : i32
    %dma_wait3A_842 = arith.constant 20 : i32
    %dma_wait3A_843 = tpu.memref_slice %arg7[%dma_wait3A_842] : memref<32x!tpu.dma_semaphore, #tpu.memory_space<semaphore_mem>> -> memref<1x!tpu.dma_semaphore, #tpu.memory_space<semaphore_mem>>
    %dma_wait3A_844 = tpu.memref_squeeze %dma_wait3A_843 : memref<1x!tpu.dma_semaphore, #tpu.memory_space<semaphore_mem>> -> memref<!tpu.dma_semaphore, #tpu.memory_space<semaphore_mem>>
    %dma_wait3A_845 = arith.constant 0 : i32
    %dma_wait3A_846 = arith.constant 0 : i32
    %dma_wait3A_847 = tpu.memref_slice %arg5[%dma_wait3A_841, %dma_wait3A_845, %dma_wait3A_846] : memref<32x6272x128xf32, #tpu.memory_space<any>> -> memref<1x6272x128xf32, #tpu.memory_space<any>>
    %dma_wait3A_848 = tpu.memref_squeeze %dma_wait3A_847 : memref<1x6272x128xf32, #tpu.memory_space<any>> -> memref<6272x128xf32, #tpu.memory_space<any>>
    %dma_wait3A_849 = arith.constant 0 : i32
    %dma_wait3A_850 = arith.constant 0 : i32
    %dma_wait3A_851 = tpu.memref_slice %arg6[%get3A_840, %dma_wait3A_849, %dma_wait3A_850] : memref<4x6272x128xf32, #tpu.memory_space<vmem>> -> memref<1x6272x128xf32, #tpu.memory_space<vmem>>
    %dma_wait3A_852 = tpu.memref_squeeze %dma_wait3A_851 : memref<1x6272x128xf32, #tpu.memory_space<vmem>> -> memref<6272x128xf32, #tpu.memory_space<vmem>>
    tpu.wait_dma2 semaphore(%dma_wait3A_844 : memref<!tpu.dma_semaphore, #tpu.memory_space<semaphore_mem>>) src(%dma_wait3A_852 : memref<6272x128xf32, #tpu.memory_space<vmem>>) dst(%dma_wait3A_848 : memref<6272x128xf32, #tpu.memory_space<any>>)
    %get3A_853 = arith.constant 21 : index
    %get3A_854 = memref.load %arg1[%get3A_853] : memref<32xi32, #tpu.memory_space<smem>>
    %dma_wait3A_855 = arith.constant 21 : i32
    %dma_wait3A_856 = arith.constant 21 : i32
    %dma_wait3A_857 = tpu.memref_slice %arg7[%dma_wait3A_856] : memref<32x!tpu.dma_semaphore, #tpu.memory_space<semaphore_mem>> -> memref<1x!tpu.dma_semaphore, #tpu.memory_space<semaphore_mem>>
    %dma_wait3A_858 = tpu.memref_squeeze %dma_wait3A_857 : memref<1x!tpu.dma_semaphore, #tpu.memory_space<semaphore_mem>> -> memref<!tpu.dma_semaphore, #tpu.memory_space<semaphore_mem>>
    %dma_wait3A_859 = arith.constant 0 : i32
    %dma_wait3A_860 = arith.constant 0 : i32
    %dma_wait3A_861 = tpu.memref_slice %arg5[%dma_wait3A_855, %dma_wait3A_859, %dma_wait3A_860] : memref<32x6272x128xf32, #tpu.memory_space<any>> -> memref<1x6272x128xf32, #tpu.memory_space<any>>
    %dma_wait3A_862 = tpu.memref_squeeze %dma_wait3A_861 : memref<1x6272x128xf32, #tpu.memory_space<any>> -> memref<6272x128xf32, #tpu.memory_space<any>>
    %dma_wait3A_863 = arith.constant 0 : i32
    %dma_wait3A_864 = arith.constant 0 : i32
    %dma_wait3A_865 = tpu.memref_slice %arg6[%get3A_854, %dma_wait3A_863, %dma_wait3A_864] : memref<4x6272x128xf32, #tpu.memory_space<vmem>> -> memref<1x6272x128xf32, #tpu.memory_space<vmem>>
    %dma_wait3A_866 = tpu.memref_squeeze %dma_wait3A_865 : memref<1x6272x128xf32, #tpu.memory_space<vmem>> -> memref<6272x128xf32, #tpu.memory_space<vmem>>
    tpu.wait_dma2 semaphore(%dma_wait3A_858 : memref<!tpu.dma_semaphore, #tpu.memory_space<semaphore_mem>>) src(%dma_wait3A_866 : memref<6272x128xf32, #tpu.memory_space<vmem>>) dst(%dma_wait3A_862 : memref<6272x128xf32, #tpu.memory_space<any>>)
    %get3A_867 = arith.constant 22 : index
    %get3A_868 = memref.load %arg1[%get3A_867] : memref<32xi32, #tpu.memory_space<smem>>
    %dma_wait3A_869 = arith.constant 22 : i32
    %dma_wait3A_870 = arith.constant 22 : i32
    %dma_wait3A_871 = tpu.memref_slice %arg7[%dma_wait3A_870] : memref<32x!tpu.dma_semaphore, #tpu.memory_space<semaphore_mem>> -> memref<1x!tpu.dma_semaphore, #tpu.memory_space<semaphore_mem>>
    %dma_wait3A_872 = tpu.memref_squeeze %dma_wait3A_871 : memref<1x!tpu.dma_semaphore, #tpu.memory_space<semaphore_mem>> -> memref<!tpu.dma_semaphore, #tpu.memory_space<semaphore_mem>>
    %dma_wait3A_873 = arith.constant 0 : i32
    %dma_wait3A_874 = arith.constant 0 : i32
    %dma_wait3A_875 = tpu.memref_slice %arg5[%dma_wait3A_869, %dma_wait3A_873, %dma_wait3A_874] : memref<32x6272x128xf32, #tpu.memory_space<any>> -> memref<1x6272x128xf32, #tpu.memory_space<any>>
    %dma_wait3A_876 = tpu.memref_squeeze %dma_wait3A_875 : memref<1x6272x128xf32, #tpu.memory_space<any>> -> memref<6272x128xf32, #tpu.memory_space<any>>
    %dma_wait3A_877 = arith.constant 0 : i32
    %dma_wait3A_878 = arith.constant 0 : i32
    %dma_wait3A_879 = tpu.memref_slice %arg6[%get3A_868, %dma_wait3A_877, %dma_wait3A_878] : memref<4x6272x128xf32, #tpu.memory_space<vmem>> -> memref<1x6272x128xf32, #tpu.memory_space<vmem>>
    %dma_wait3A_880 = tpu.memref_squeeze %dma_wait3A_879 : memref<1x6272x128xf32, #tpu.memory_space<vmem>> -> memref<6272x128xf32, #tpu.memory_space<vmem>>
    tpu.wait_dma2 semaphore(%dma_wait3A_872 : memref<!tpu.dma_semaphore, #tpu.memory_space<semaphore_mem>>) src(%dma_wait3A_880 : memref<6272x128xf32, #tpu.memory_space<vmem>>) dst(%dma_wait3A_876 : memref<6272x128xf32, #tpu.memory_space<any>>)
    %get3A_881 = arith.constant 23 : index
    %get3A_882 = memref.load %arg1[%get3A_881] : memref<32xi32, #tpu.memory_space<smem>>
    %dma_wait3A_883 = arith.constant 23 : i32
    %dma_wait3A_884 = arith.constant 23 : i32
    %dma_wait3A_885 = tpu.memref_slice %arg7[%dma_wait3A_884] : memref<32x!tpu.dma_semaphore, #tpu.memory_space<semaphore_mem>> -> memref<1x!tpu.dma_semaphore, #tpu.memory_space<semaphore_mem>>
    %dma_wait3A_886 = tpu.memref_squeeze %dma_wait3A_885 : memref<1x!tpu.dma_semaphore, #tpu.memory_space<semaphore_mem>> -> memref<!tpu.dma_semaphore, #tpu.memory_space<semaphore_mem>>
    %dma_wait3A_887 = arith.constant 0 : i32
    %dma_wait3A_888 = arith.constant 0 : i32
    %dma_wait3A_889 = tpu.memref_slice %arg5[%dma_wait3A_883, %dma_wait3A_887, %dma_wait3A_888] : memref<32x6272x128xf32, #tpu.memory_space<any>> -> memref<1x6272x128xf32, #tpu.memory_space<any>>
    %dma_wait3A_890 = tpu.memref_squeeze %dma_wait3A_889 : memref<1x6272x128xf32, #tpu.memory_space<any>> -> memref<6272x128xf32, #tpu.memory_space<any>>
    %dma_wait3A_891 = arith.constant 0 : i32
    %dma_wait3A_892 = arith.constant 0 : i32
    %dma_wait3A_893 = tpu.memref_slice %arg6[%get3A_882, %dma_wait3A_891, %dma_wait3A_892] : memref<4x6272x128xf32, #tpu.memory_space<vmem>> -> memref<1x6272x128xf32, #tpu.memory_space<vmem>>
    %dma_wait3A_894 = tpu.memref_squeeze %dma_wait3A_893 : memref<1x6272x128xf32, #tpu.memory_space<vmem>> -> memref<6272x128xf32, #tpu.memory_space<vmem>>
    tpu.wait_dma2 semaphore(%dma_wait3A_886 : memref<!tpu.dma_semaphore, #tpu.memory_space<semaphore_mem>>) src(%dma_wait3A_894 : memref<6272x128xf32, #tpu.memory_space<vmem>>) dst(%dma_wait3A_890 : memref<6272x128xf32, #tpu.memory_space<any>>)
    %get3A_895 = arith.constant 24 : index
    %get3A_896 = memref.load %arg1[%get3A_895] : memref<32xi32, #tpu.memory_space<smem>>
    %dma_wait3A_897 = arith.constant 24 : i32
    %dma_wait3A_898 = arith.constant 24 : i32
    %dma_wait3A_899 = tpu.memref_slice %arg7[%dma_wait3A_898] : memref<32x!tpu.dma_semaphore, #tpu.memory_space<semaphore_mem>> -> memref<1x!tpu.dma_semaphore, #tpu.memory_space<semaphore_mem>>
    %dma_wait3A_900 = tpu.memref_squeeze %dma_wait3A_899 : memref<1x!tpu.dma_semaphore, #tpu.memory_space<semaphore_mem>> -> memref<!tpu.dma_semaphore, #tpu.memory_space<semaphore_mem>>
    %dma_wait3A_901 = arith.constant 0 : i32
    %dma_wait3A_902 = arith.constant 0 : i32
    %dma_wait3A_903 = tpu.memref_slice %arg5[%dma_wait3A_897, %dma_wait3A_901, %dma_wait3A_902] : memref<32x6272x128xf32, #tpu.memory_space<any>> -> memref<1x6272x128xf32, #tpu.memory_space<any>>
    %dma_wait3A_904 = tpu.memref_squeeze %dma_wait3A_903 : memref<1x6272x128xf32, #tpu.memory_space<any>> -> memref<6272x128xf32, #tpu.memory_space<any>>
    %dma_wait3A_905 = arith.constant 0 : i32
    %dma_wait3A_906 = arith.constant 0 : i32
    %dma_wait3A_907 = tpu.memref_slice %arg6[%get3A_896, %dma_wait3A_905, %dma_wait3A_906] : memref<4x6272x128xf32, #tpu.memory_space<vmem>> -> memref<1x6272x128xf32, #tpu.memory_space<vmem>>
    %dma_wait3A_908 = tpu.memref_squeeze %dma_wait3A_907 : memref<1x6272x128xf32, #tpu.memory_space<vmem>> -> memref<6272x128xf32, #tpu.memory_space<vmem>>
    tpu.wait_dma2 semaphore(%dma_wait3A_900 : memref<!tpu.dma_semaphore, #tpu.memory_space<semaphore_mem>>) src(%dma_wait3A_908 : memref<6272x128xf32, #tpu.memory_space<vmem>>) dst(%dma_wait3A_904 : memref<6272x128xf32, #tpu.memory_space<any>>)
    %get3A_909 = arith.constant 25 : index
    %get3A_910 = memref.load %arg1[%get3A_909] : memref<32xi32, #tpu.memory_space<smem>>
    %dma_wait3A_911 = arith.constant 25 : i32
    %dma_wait3A_912 = arith.constant 25 : i32
    %dma_wait3A_913 = tpu.memref_slice %arg7[%dma_wait3A_912] : memref<32x!tpu.dma_semaphore, #tpu.memory_space<semaphore_mem>> -> memref<1x!tpu.dma_semaphore, #tpu.memory_space<semaphore_mem>>
    %dma_wait3A_914 = tpu.memref_squeeze %dma_wait3A_913 : memref<1x!tpu.dma_semaphore, #tpu.memory_space<semaphore_mem>> -> memref<!tpu.dma_semaphore, #tpu.memory_space<semaphore_mem>>
    %dma_wait3A_915 = arith.constant 0 : i32
    %dma_wait3A_916 = arith.constant 0 : i32
    %dma_wait3A_917 = tpu.memref_slice %arg5[%dma_wait3A_911, %dma_wait3A_915, %dma_wait3A_916] : memref<32x6272x128xf32, #tpu.memory_space<any>> -> memref<1x6272x128xf32, #tpu.memory_space<any>>
    %dma_wait3A_918 = tpu.memref_squeeze %dma_wait3A_917 : memref<1x6272x128xf32, #tpu.memory_space<any>> -> memref<6272x128xf32, #tpu.memory_space<any>>
    %dma_wait3A_919 = arith.constant 0 : i32
    %dma_wait3A_920 = arith.constant 0 : i32
    %dma_wait3A_921 = tpu.memref_slice %arg6[%get3A_910, %dma_wait3A_919, %dma_wait3A_920] : memref<4x6272x128xf32, #tpu.memory_space<vmem>> -> memref<1x6272x128xf32, #tpu.memory_space<vmem>>
    %dma_wait3A_922 = tpu.memref_squeeze %dma_wait3A_921 : memref<1x6272x128xf32, #tpu.memory_space<vmem>> -> memref<6272x128xf32, #tpu.memory_space<vmem>>
    tpu.wait_dma2 semaphore(%dma_wait3A_914 : memref<!tpu.dma_semaphore, #tpu.memory_space<semaphore_mem>>) src(%dma_wait3A_922 : memref<6272x128xf32, #tpu.memory_space<vmem>>) dst(%dma_wait3A_918 : memref<6272x128xf32, #tpu.memory_space<any>>)
    %get3A_923 = arith.constant 26 : index
    %get3A_924 = memref.load %arg1[%get3A_923] : memref<32xi32, #tpu.memory_space<smem>>
    %dma_wait3A_925 = arith.constant 26 : i32
    %dma_wait3A_926 = arith.constant 26 : i32
    %dma_wait3A_927 = tpu.memref_slice %arg7[%dma_wait3A_926] : memref<32x!tpu.dma_semaphore, #tpu.memory_space<semaphore_mem>> -> memref<1x!tpu.dma_semaphore, #tpu.memory_space<semaphore_mem>>
    %dma_wait3A_928 = tpu.memref_squeeze %dma_wait3A_927 : memref<1x!tpu.dma_semaphore, #tpu.memory_space<semaphore_mem>> -> memref<!tpu.dma_semaphore, #tpu.memory_space<semaphore_mem>>
    %dma_wait3A_929 = arith.constant 0 : i32
    %dma_wait3A_930 = arith.constant 0 : i32
    %dma_wait3A_931 = tpu.memref_slice %arg5[%dma_wait3A_925, %dma_wait3A_929, %dma_wait3A_930] : memref<32x6272x128xf32, #tpu.memory_space<any>> -> memref<1x6272x128xf32, #tpu.memory_space<any>>
    %dma_wait3A_932 = tpu.memref_squeeze %dma_wait3A_931 : memref<1x6272x128xf32, #tpu.memory_space<any>> -> memref<6272x128xf32, #tpu.memory_space<any>>
    %dma_wait3A_933 = arith.constant 0 : i32
    %dma_wait3A_934 = arith.constant 0 : i32
    %dma_wait3A_935 = tpu.memref_slice %arg6[%get3A_924, %dma_wait3A_933, %dma_wait3A_934] : memref<4x6272x128xf32, #tpu.memory_space<vmem>> -> memref<1x6272x128xf32, #tpu.memory_space<vmem>>
    %dma_wait3A_936 = tpu.memref_squeeze %dma_wait3A_935 : memref<1x6272x128xf32, #tpu.memory_space<vmem>> -> memref<6272x128xf32, #tpu.memory_space<vmem>>
    tpu.wait_dma2 semaphore(%dma_wait3A_928 : memref<!tpu.dma_semaphore, #tpu.memory_space<semaphore_mem>>) src(%dma_wait3A_936 : memref<6272x128xf32, #tpu.memory_space<vmem>>) dst(%dma_wait3A_932 : memref<6272x128xf32, #tpu.memory_space<any>>)
    %get3A_937 = arith.constant 27 : index
    %get3A_938 = memref.load %arg1[%get3A_937] : memref<32xi32, #tpu.memory_space<smem>>
    %dma_wait3A_939 = arith.constant 27 : i32
    %dma_wait3A_940 = arith.constant 27 : i32
    %dma_wait3A_941 = tpu.memref_slice %arg7[%dma_wait3A_940] : memref<32x!tpu.dma_semaphore, #tpu.memory_space<semaphore_mem>> -> memref<1x!tpu.dma_semaphore, #tpu.memory_space<semaphore_mem>>
    %dma_wait3A_942 = tpu.memref_squeeze %dma_wait3A_941 : memref<1x!tpu.dma_semaphore, #tpu.memory_space<semaphore_mem>> -> memref<!tpu.dma_semaphore, #tpu.memory_space<semaphore_mem>>
    %dma_wait3A_943 = arith.constant 0 : i32
    %dma_wait3A_944 = arith.constant 0 : i32
    %dma_wait3A_945 = tpu.memref_slice %arg5[%dma_wait3A_939, %dma_wait3A_943, %dma_wait3A_944] : memref<32x6272x128xf32, #tpu.memory_space<any>> -> memref<1x6272x128xf32, #tpu.memory_space<any>>
    %dma_wait3A_946 = tpu.memref_squeeze %dma_wait3A_945 : memref<1x6272x128xf32, #tpu.memory_space<any>> -> memref<6272x128xf32, #tpu.memory_space<any>>
    %dma_wait3A_947 = arith.constant 0 : i32
    %dma_wait3A_948 = arith.constant 0 : i32
    %dma_wait3A_949 = tpu.memref_slice %arg6[%get3A_938, %dma_wait3A_947, %dma_wait3A_948] : memref<4x6272x128xf32, #tpu.memory_space<vmem>> -> memref<1x6272x128xf32, #tpu.memory_space<vmem>>
    %dma_wait3A_950 = tpu.memref_squeeze %dma_wait3A_949 : memref<1x6272x128xf32, #tpu.memory_space<vmem>> -> memref<6272x128xf32, #tpu.memory_space<vmem>>
    tpu.wait_dma2 semaphore(%dma_wait3A_942 : memref<!tpu.dma_semaphore, #tpu.memory_space<semaphore_mem>>) src(%dma_wait3A_950 : memref<6272x128xf32, #tpu.memory_space<vmem>>) dst(%dma_wait3A_946 : memref<6272x128xf32, #tpu.memory_space<any>>)
    %get3A_951 = arith.constant 28 : index
    %get3A_952 = memref.load %arg1[%get3A_951] : memref<32xi32, #tpu.memory_space<smem>>
    %dma_wait3A_953 = arith.constant 28 : i32
    %dma_wait3A_954 = arith.constant 28 : i32
    %dma_wait3A_955 = tpu.memref_slice %arg7[%dma_wait3A_954] : memref<32x!tpu.dma_semaphore, #tpu.memory_space<semaphore_mem>> -> memref<1x!tpu.dma_semaphore, #tpu.memory_space<semaphore_mem>>
    %dma_wait3A_956 = tpu.memref_squeeze %dma_wait3A_955 : memref<1x!tpu.dma_semaphore, #tpu.memory_space<semaphore_mem>> -> memref<!tpu.dma_semaphore, #tpu.memory_space<semaphore_mem>>
    %dma_wait3A_957 = arith.constant 0 : i32
    %dma_wait3A_958 = arith.constant 0 : i32
    %dma_wait3A_959 = tpu.memref_slice %arg5[%dma_wait3A_953, %dma_wait3A_957, %dma_wait3A_958] : memref<32x6272x128xf32, #tpu.memory_space<any>> -> memref<1x6272x128xf32, #tpu.memory_space<any>>
    %dma_wait3A_960 = tpu.memref_squeeze %dma_wait3A_959 : memref<1x6272x128xf32, #tpu.memory_space<any>> -> memref<6272x128xf32, #tpu.memory_space<any>>
    %dma_wait3A_961 = arith.constant 0 : i32
    %dma_wait3A_962 = arith.constant 0 : i32
    %dma_wait3A_963 = tpu.memref_slice %arg6[%get3A_952, %dma_wait3A_961, %dma_wait3A_962] : memref<4x6272x128xf32, #tpu.memory_space<vmem>> -> memref<1x6272x128xf32, #tpu.memory_space<vmem>>
    %dma_wait3A_964 = tpu.memref_squeeze %dma_wait3A_963 : memref<1x6272x128xf32, #tpu.memory_space<vmem>> -> memref<6272x128xf32, #tpu.memory_space<vmem>>
    tpu.wait_dma2 semaphore(%dma_wait3A_956 : memref<!tpu.dma_semaphore, #tpu.memory_space<semaphore_mem>>) src(%dma_wait3A_964 : memref<6272x128xf32, #tpu.memory_space<vmem>>) dst(%dma_wait3A_960 : memref<6272x128xf32, #tpu.memory_space<any>>)
    %get3A_965 = arith.constant 29 : index
    %get3A_966 = memref.load %arg1[%get3A_965] : memref<32xi32, #tpu.memory_space<smem>>
    %dma_wait3A_967 = arith.constant 29 : i32
    %dma_wait3A_968 = arith.constant 29 : i32
    %dma_wait3A_969 = tpu.memref_slice %arg7[%dma_wait3A_968] : memref<32x!tpu.dma_semaphore, #tpu.memory_space<semaphore_mem>> -> memref<1x!tpu.dma_semaphore, #tpu.memory_space<semaphore_mem>>
    %dma_wait3A_970 = tpu.memref_squeeze %dma_wait3A_969 : memref<1x!tpu.dma_semaphore, #tpu.memory_space<semaphore_mem>> -> memref<!tpu.dma_semaphore, #tpu.memory_space<semaphore_mem>>
    %dma_wait3A_971 = arith.constant 0 : i32
    %dma_wait3A_972 = arith.constant 0 : i32
    %dma_wait3A_973 = tpu.memref_slice %arg5[%dma_wait3A_967, %dma_wait3A_971, %dma_wait3A_972] : memref<32x6272x128xf32, #tpu.memory_space<any>> -> memref<1x6272x128xf32, #tpu.memory_space<any>>
    %dma_wait3A_974 = tpu.memref_squeeze %dma_wait3A_973 : memref<1x6272x128xf32, #tpu.memory_space<any>> -> memref<6272x128xf32, #tpu.memory_space<any>>
    %dma_wait3A_975 = arith.constant 0 : i32
    %dma_wait3A_976 = arith.constant 0 : i32
    %dma_wait3A_977 = tpu.memref_slice %arg6[%get3A_966, %dma_wait3A_975, %dma_wait3A_976] : memref<4x6272x128xf32, #tpu.memory_space<vmem>> -> memref<1x6272x128xf32, #tpu.memory_space<vmem>>
    %dma_wait3A_978 = tpu.memref_squeeze %dma_wait3A_977 : memref<1x6272x128xf32, #tpu.memory_space<vmem>> -> memref<6272x128xf32, #tpu.memory_space<vmem>>
    tpu.wait_dma2 semaphore(%dma_wait3A_970 : memref<!tpu.dma_semaphore, #tpu.memory_space<semaphore_mem>>) src(%dma_wait3A_978 : memref<6272x128xf32, #tpu.memory_space<vmem>>) dst(%dma_wait3A_974 : memref<6272x128xf32, #tpu.memory_space<any>>)
    %get3A_979 = arith.constant 30 : index
    %get3A_980 = memref.load %arg1[%get3A_979] : memref<32xi32, #tpu.memory_space<smem>>
    %dma_wait3A_981 = arith.constant 30 : i32
    %dma_wait3A_982 = arith.constant 30 : i32
    %dma_wait3A_983 = tpu.memref_slice %arg7[%dma_wait3A_982] : memref<32x!tpu.dma_semaphore, #tpu.memory_space<semaphore_mem>> -> memref<1x!tpu.dma_semaphore, #tpu.memory_space<semaphore_mem>>
    %dma_wait3A_984 = tpu.memref_squeeze %dma_wait3A_983 : memref<1x!tpu.dma_semaphore, #tpu.memory_space<semaphore_mem>> -> memref<!tpu.dma_semaphore, #tpu.memory_space<semaphore_mem>>
    %dma_wait3A_985 = arith.constant 0 : i32
    %dma_wait3A_986 = arith.constant 0 : i32
    %dma_wait3A_987 = tpu.memref_slice %arg5[%dma_wait3A_981, %dma_wait3A_985, %dma_wait3A_986] : memref<32x6272x128xf32, #tpu.memory_space<any>> -> memref<1x6272x128xf32, #tpu.memory_space<any>>
    %dma_wait3A_988 = tpu.memref_squeeze %dma_wait3A_987 : memref<1x6272x128xf32, #tpu.memory_space<any>> -> memref<6272x128xf32, #tpu.memory_space<any>>
    %dma_wait3A_989 = arith.constant 0 : i32
    %dma_wait3A_990 = arith.constant 0 : i32
    %dma_wait3A_991 = tpu.memref_slice %arg6[%get3A_980, %dma_wait3A_989, %dma_wait3A_990] : memref<4x6272x128xf32, #tpu.memory_space<vmem>> -> memref<1x6272x128xf32, #tpu.memory_space<vmem>>
    %dma_wait3A_992 = tpu.memref_squeeze %dma_wait3A_991 : memref<1x6272x128xf32, #tpu.memory_space<vmem>> -> memref<6272x128xf32, #tpu.memory_space<vmem>>
    tpu.wait_dma2 semaphore(%dma_wait3A_984 : memref<!tpu.dma_semaphore, #tpu.memory_space<semaphore_mem>>) src(%dma_wait3A_992 : memref<6272x128xf32, #tpu.memory_space<vmem>>) dst(%dma_wait3A_988 : memref<6272x128xf32, #tpu.memory_space<any>>)
    %get3A_993 = arith.constant 31 : index
    %get3A_994 = memref.load %arg1[%get3A_993] : memref<32xi32, #tpu.memory_space<smem>>
    %dma_wait3A_995 = arith.constant 31 : i32
    %dma_wait3A_996 = arith.constant 31 : i32
    %dma_wait3A_997 = tpu.memref_slice %arg7[%dma_wait3A_996] : memref<32x!tpu.dma_semaphore, #tpu.memory_space<semaphore_mem>> -> memref<1x!tpu.dma_semaphore, #tpu.memory_space<semaphore_mem>>
    %dma_wait3A_998 = tpu.memref_squeeze %dma_wait3A_997 : memref<1x!tpu.dma_semaphore, #tpu.memory_space<semaphore_mem>> -> memref<!tpu.dma_semaphore, #tpu.memory_space<semaphore_mem>>
    %dma_wait3A_999 = arith.constant 0 : i32
    %dma_wait3A_1000 = arith.constant 0 : i32
    %dma_wait3A_1001 = tpu.memref_slice %arg5[%dma_wait3A_995, %dma_wait3A_999, %dma_wait3A_1000] : memref<32x6272x128xf32, #tpu.memory_space<any>> -> memref<1x6272x128xf32, #tpu.memory_space<any>>
    %dma_wait3A_1002 = tpu.memref_squeeze %dma_wait3A_1001 : memref<1x6272x128xf32, #tpu.memory_space<any>> -> memref<6272x128xf32, #tpu.memory_space<any>>
    %dma_wait3A_1003 = arith.constant 0 : i32
    %dma_wait3A_1004 = arith.constant 0 : i32
    %dma_wait3A_1005 = tpu.memref_slice %arg6[%get3A_994, %dma_wait3A_1003, %dma_wait3A_1004] : memref<4x6272x128xf32, #tpu.memory_space<vmem>> -> memref<1x6272x128xf32, #tpu.memory_space<vmem>>
    %dma_wait3A_1006 = tpu.memref_squeeze %dma_wait3A_1005 : memref<1x6272x128xf32, #tpu.memory_space<vmem>> -> memref<6272x128xf32, #tpu.memory_space<vmem>>
    tpu.wait_dma2 semaphore(%dma_wait3A_998 : memref<!tpu.dma_semaphore, #tpu.memory_space<semaphore_mem>>) src(%dma_wait3A_1006 : memref<6272x128xf32, #tpu.memory_space<vmem>>) dst(%dma_wait3A_1002 : memref<6272x128xf32, #tpu.memory_space<any>>)
    return
  }
  func.func @transform_0(%arg0: i32, %arg1: memref<32xi32, #tpu.memory_space<smem>>) -> (i32, i32) {
    %c0_i32 = arith.constant 0 : i32
    %c0_i32_0 = arith.constant 0 : i32
    %c0_i32_1 = arith.constant 0 : i32
    return %c0_i32, %c0_i32_0 : i32, i32
  }
  func.func @transform_1(%arg0: i32, %arg1: memref<32xi32, #tpu.memory_space<smem>>) -> (i32, i32) {
    %c0_i32 = arith.constant 0 : i32
    %c0_i32_0 = arith.constant 0 : i32
    %c0_i32_1 = arith.constant 0 : i32
    return %c0_i32, %c0_i32_0 : i32, i32
  }
  func.func @transform_2(%arg0: i32, %arg1: memref<32xi32, #tpu.memory_space<smem>>) -> (i32, i32) {
    %c0_i32 = arith.constant 0 : i32
    %c0_i32_0 = arith.constant 0 : i32
    %c0_i32_1 = arith.constant 0 : i32
    return %c0_i32, %c0_i32_0 : i32, i32
  }
}

</mosaic_0001>

<sc_bundles>
// kernel: sparse-core-data-format-call.cloned.1.call-start
scs
called_computation_lowered:
.L_overlay_start_0:
0x0: {  	s2 =	sld [smem:$0x3FD9]  }
0x1: {  	s3 =	sld [smem:$0x3FFE];
	_ =	sdelay $0x1  }
0x2: {  	s1 =	srdreg.scid  }
0x3: {  	s0 =	sand.u32 $0x1, s1  }
0x4: {  	s18 =	sshll.u32 s0, $0xA;
	s2 =	sadd.s32 s3, s2  }
0x5: {  	s2 =	sadd.s32 s2, s18  }
0x6: {  	[smem:$0x3FC4] =	sst s2  }
0x7: {  	_ = 	snop  }
0x8: {  	s2 =	sld [smem:$0x3FD0];
	(tm) =	ssettm $0x1  }
0x9: {  	s19 =	sld [smem:$0x3FFB];
	_ =	sdelay $0x3  }
0xa: {  	_ =	strace s19  }
0xb: {  	s3 =	sld [smem:$0x3FFC];
	_ =	sdelay $0x3  }
0xc: {  	_ =	strace s3  }
0xd: {  	s3 =	sld [smem:$0x3FFD];
	_ =	sdelay $0x3  }
0xe: {  	_ =	strace s3  }
0xf: {  	_ =	strace $0x8FFFFFFF  }
0x10: {  	s20 =	sld [smem:$0x3FDB];
	_ =	sdelay $0x1  }
0x11: {  	s4 =	simm.s32 $_scs_section_size  }
0x12: {  	s5 =	simm.s32 $_size__tile_overlayer_lowered;
	s6 =	simm.s32 $_tile_overlayer_lowered  }
0x13: {  	s23 =	simm.s32 $0x1BFF;
	s22 =	sshll.u32 s6, $0x1;
	s3 =	sadd.s32 s4, s20  }
0x14: {  	s7 =	simm.s32 $0x0;
	s21 =	sshll.u32 s5, $0x1;
	s5 =	sadd.s32 s22, s3  }
0x15: {  	[timem:s7], [sflag:s23] =	dma.local [hbm:s5], s21  }
0x16: {  	_ =	swait.ge [sflag:s23], s21  }
0x17: {  	s4 =	ssub.s32 $0x0, s21;
	[sflag:s23] =	ssyncset.done $0x0  }
0x18: {  	[sflag:s23] =	ssyncadd.s32 s4;
	_ =	sdelay $0x1  }
0x19: {  	s24 =	simm.s32 $0x1B8B  }
0x1a: {  	_ =	swait.ge [sflag:s24], $0x1  }
0x1b: {  	[sflag:s24] =	ssyncset.done $0x0  }
0x1c: {  	s26 =	simm.s32 $0x1B8E;
	s25 =	sld [smem:$0x3FFE];
	[sflag:s24] =	ssyncadd.s32 $0xFFFFFFFF  }
0x1d: {  	s27 =	simm.s32 $execute0_lowered;
	[smem:$0x3FD2] =	sst s26  }
0x1e: {  	s5 =	sshll.u32 s27, $0x1;
	_ =	strace $0x80000046;
	[dreg:$0x1] =	wrdreg $0xFFFFFFFF  }
0x1f: {  	s28 =	simm.s32 $_size_execute0_lowered;
	s3 =	sadd.s32 s3, s5;
	[dreg:$0x0] =	wrdreg $0x0  }
0x20: {  	s5 =	sshll.u32 s28, $0x1;
	[dreg:$0x2] =	wrdreg s3  }
0x21: {  	[dreg:$0x3] =	wrdreg s5  }
0x22: {  	[dreg:$0x4] =	wrdreg $0xC0  }
0x23: {  	_ =	task [dreg:s7], $0x5FFFF  }
0x24: {  	[dreg:$0x1] =	wrdreg $0xFFFFFFFF  }
0x25: {  	[dreg:$0x0] =	wrdreg $0x60  }
0x26: {  	[dreg:$0x2] =	wrdreg s25  }
0x27: {  	[dreg:$0x3] =	wrdreg s2  }
0x28: {  	[dreg:$0x4] =	wrdreg $0x9  }
0x29: {  	_ =	task.clear_ibuf [dreg:s7], $0x5FFFF;
	_ =	strace $0x90000046  }
0x2a: {  	s29 =	simm.s32 $0x9;
	_ =	strace $0x80000048  }
0x2b: {  	_ =	swait.ge [sflag:s29], $0x1  }
0x2c: {  	[sflag:s29] =	ssyncadd.s32 $0xFFFFFFFF  }
0x2d: {  	_ =	strace $0x90000048  }
0x2e: {  	_ =	sfence  }
0x2f: {  	s30 =	sld [smem:$0x0];
	_ =	sdelay $0x2  }
0x30: {  	s31 =	sshll.u32 s1, $0xD;
	s1 =	sshrl.u32 s1, $0x2  }
0x31: {  	s3 =	sand.u32 $0x4000, s31;
	s1 =	sadd.s32 s1, s30  }
0x32: {  	s0 =	sor.u32 s3, s0;
	s1 =	sshll.u32 s1, $0x11  }
0x33: {  	s0 =	sor.u32 s1, s0  }
0x34: {  	s0 =	sadd.s32 $0x8F2B, s0  }
0x35: {  	[sflag:s0] =	ssyncadd.remote.s32 $0x1  }
0x36: {  	_ =	sfence.sel $0xFFFF  }
0x37: {  	[dreg:$0x0] =	wrdreg $0xFFFFFFFF;
	(pc) =	sbr.abs _section_cstart, $3  }
0x38: {  	[dreg:$0x1] =	wrdreg $0xFFFFFFFF  }
0x39: {  	_ =	task.clear_ibuf [dreg:s7], $0x2FFFF;
	_ =	strace $0x9FFFFFFF  }
0x3a: {  	(tm) =	ssettm $0x7FFFFFFF  }
0x3b: {  	_ =	shalt  }
tec
execute0_lowered:
.L_overlay_start_1:
0x0: {  	(tag) =	ssettag $0x1  }
0x1: {  	s1 =	rddreg [dreg:$0x0]  }
0x2: {  	s2 =	rddreg [dreg:$0x1]  }
0x3: {  	s0 =	rddreg [dreg:$0x2]  }
0x4: {  	s4 =	srdreg.scid;
	_ =	strace $0x80000047;
	s6 =	simm.s32 $0x2  }
0x5: {  	s14 =	simm.s32 $0x0;
	p0 =	por $0x0, $0x0;
	s15 =	simm.s32 $0x0  }
0x6: {  	s16 =	simm.s32 $0x0;
	s7 =	simm.s32 $0x0;
	s9 =	simm.s32 $0x0  }
.Ltmp0:
0x7: {  	s10 =	simm.s32 $0x0;
	s11 =	simm.s32 $0x0;
	(pc) =	sbr.rel .LBB1_1-.Ltmp0, $4  }
0x8: {  	s12 =	simm.s32 $0x0;
	s3 =	sadd.s32 $0x800, s1;
	s4 =	sshll.u32 s4, $0x4  }
0x9: {  	s1 =	stileid.u32;
	s5 =	sand.u32 $0x10, s4;
	s4 =	simm.s32 $0x1  }
0xa: {  	s8 =	simm.s32 $0x0;
	s5 =	sor.u32 s1, s5;
	[sflag:s4] =	ssyncpa.u1 $0x0  }
0xb: {  	[sflag:s6] =	ssyncpa.u1 $0x0;
	s6 =	simm.s32 $0x800;
	s13 =	smov.u32 s5  }
.LBB1_5:
0xc: {  	p1 =	slt.u32 s8, $0x2  }
0xd: {  	p2 =	sgt.s32 @!p1 s16, $0x1F  }
0xe: {  	s17 =	smov.u32 s16;
	s18 =	sshra.s32 @!p1 s16, $0x1F;
	p2 =	por !p2, p1  }
0xf: {  	p3 =	sgt.s32 @!p1 s15, $0x80;
	s16 =	sand.u32 @!p1 s18, s16;
	s17 =	simm.s32 @p2 $0x1F  }
0x10: {  	s19 =	smov.u32 s14;
	p3 =	por !p3, p1;
	s16 =	ssub.s32 @!p1 s17, s16  }
0x11: {  	s18 =	sshra.s32 @!p1 s15, $0x1F;
	s17 =	sadd.s32 @!p1 $0xFFFFFFE1, s16;
	s16 =	ssub.s32 @!p1 $0x20, s16  }
0x12: {  	p2 =	sgt.s32 @!p1 s17, $0x0;
	s17 =	smov.u32 s15;
	s15 =	sand.u32 @!p1 s18, s15  }
0x13: {  	s18 =	sshra.s32 @!p1 s14, $0x1F;
	s17 =	simm.s32 @p3 $0x80;
	p3 =	sgt.s32 @!p1 s14, $0x37  }
0x14: {  	s16 =	smul.u32 @!p1 $0x38, s16;
	p3 =	por !p3, p1;
	s15 =	ssub.s32 @!p1 s17, s15  }
0x15: {  	s14 =	sand.u32 @!p1 s18, s14;
	s19 =	simm.s32 @p3 $0x37;
	s17 =	sadd.s32 @!p1 $0xFFFFFF80, s15  }
0x16: {  	p2 =	por !p2, p1;
	s14 =	ssub.s32 @!p1 s19, s14;
	p3 =	sgt.s32 @!p1 s17, $0x7F  }
0x17: {  	s15 =	ssub.s32 @!p1 $0x100, s15;
	s18 =	sadd.s32 @!p1 $0xFFFFFFC9, s14;
	p3 =	por !p3, p1  }
0x18: {  	s16 =	simm.s32 @!p2 $0x0;
	s15 =	simm.s32 @!p3 $0x0;
	p3 =	sgt.s32 @!p1 s18, $0x0  }
0x19: {  	s14 =	ssub.s32 @!p1 $0x38, s14;
	p2 =	por !p3, p1;
	s15 =	smul.u32 @!p1 s15, s16  }
0x1a: {  	s17 =	sadd.s32 $0x1, s11;
	s18 =	smov.u32 s12;
	s14 =	simm.s32 @!p2 $0x0  }
0x1b: {  	p2 =	sgt.s32 s17, $0x37;
	s14 =	smul.u32 @!p1 s14, s15;
	s15 =	sadd.s32 $0x80, s12  }
0x1c: {  	s18 =	smov.u32 @p2 s15  }
0x1d: {  	s20 =	smov.u32 s13;
	s15 =	sadd.s32 $0x20, s13;
	p3 =	sgt.s32 s18, $0xFF  }
0x1e: {  	s8 =	sadd.s32 $0x1, s8;
	p0 =	por !p0, !p0;
	s20 =	smov.u32 @p3 s15  }
0x1f: {  	s19 =	simm.s32 @!p1 $0x2;
	s17 =	simm.s32 @p2 $0x0;
	p2 =	sgt.s32 s20, $0x1F  }
0x20: {  	s16 =	smov.u32 s10;
	s20 =	smov.u32 @p2 s5;
	p2 =	sne.s32 s8, $0x72  }
.Ltmp1:
0x21: {  	s10 =	smov.u32 s13;
	s14 =	sand.u32 @!p1 $0x3FFFFFF8, s14;
	(pc) =	sbr.rel @!p2 .LBB1_6-.Ltmp1, $4  }
0x22: {  	_ =	swait.ge @!p1 [sflag:s19], s14;
	s21 =	ssub.s32 @!p1 $0x0, s14;
	s14 =	smov.u32 s7  }
0x23: {  	s15 =	smov.u32 s9;
	s18 =	simm.s32 @p3 $0x0;
	s7 =	smov.u32 s11  }
0x24: {  	s9 =	smov.u32 s12;
	s11 =	smov.u32 s17;
	[sflag:s19] =	ssyncset.done @!p1 $0x0  }
0x25: {  	s12 =	smov.u32 s18;
	[sflag:s19] =	ssyncadd.s32 @!p1 s21;
	s13 =	smov.u32 s20  }
.LBB1_1:
0x26: {  	p1 =	sgt.u32 s8, $0x6F  }
0x27: {  	s17 =	sand.u32 @!p1 $0x1FFFFFF, s11;
	s19 =	smul.u32 @!p1 $0x38000, s13  }
0x28: {  	s18 =	smulhi.u32 @!p1 $0x4924925, s17  }
0x29: {  	s21 =	smul.u32 @!p1 $0x380, s12  }
0x2a: {  	s18 =	smul.u32 @!p1 $0x38, s18  }
0x2b: {  	s19 =	sadd.s32 @!p1 s3, s19  }
0x2c: {  	s20 =	sxor.u32 @!p1 $0xFFFFFFFF, s8;
	s19 =	sadd.s32 @!p1 s21, s19;
	s17 =	ssub.s32 @!p1 s17, s18  }
0x2d: {  	s18 =	sshll.u32 @!p1 s20, $0xD;
	s20 =	simm.s32 @!p1 $0x1C00;
	s17 =	sshll.u32 @!p1 s17, $0x4  }
0x2e: {  	s18 =	sand.u32 @!p1 $0x2000, s18;
	s17 =	sadd.s32 @!p1 s17, s19;
	s19 =	simm.s32 @!p1 $0x40  }
0x2f: {  	[tilespmem:s18], [sflag:$0x1] =	stream.strided.gather @!p1 [hbm4b:s17+s19], $0x2000, s20, s19, $0x38;
	[tilespmem:$0x8080] =	vst v63  }
0x30: {  	p1 =	seq.s32 s8, $0x0  }
0x31: {  	p2 =	seq.s32 @!p1 s8, $0x71  }
0x32: {  	p1 =	por p1, p2  }
.Ltmp2:
0x33: {  	_ = 	snop;
	(pc) =	sbr.rel @p1 .LBB1_5-.Ltmp2, $1  }
0x34: {  	_ =	sdelay $0x3  }
0x35: {  	s17 =	simm.s32 $0x1  }
0x36: {  	_ =	swait.ge [sflag:s4], $0x2000;
	s17 =	simm.s32 @!p0 $0x0  }
0x37: {  	[sflag:s4] =	ssyncset.done $0x0;
	s18 =	sshll.u32 s17, $0xD  }
0x38: {  	[sflag:s4] =	ssyncadd.s32 $0xFFFFE000;
	s21 =	sor.u32 $0x20, s18  }
0x39: {  	s17 =	smul.u32 $0x8100, s17;
	v3 =	vld [tilespmem:s21+$0x10]  }
0x3a: {  	s30 =	sand.u32 $0x1, s8;
	v2 =	vld [tilespmem:s21+$0xFFFFFFF0]  }
0x3b: {  	s18 =	smul.u32 $0x8100, s30;
	s17 =	sshrl.u32 s17, $0x2;
	v0 =	vld [tilespmem:s21+$0x0]  }
0x3c: {  	v1 =	vld [tilespmem:s21+$0xFFFFFFE0];
	s19 =	sor.u32 $0x4000, s17  }
0x3d: {  	s31 =	sshrl.u32 s18, $0x2;
	s18 =	sadd.s32 $0x0, s19  }
0x3e: {  	s20 =	simm.s32 $0x4;
	s21 =	sadd.s32 $0x40, s21;
	s17 =	sor.u32 $0x4000, s31;
	[tilespmem:s18+$0x1830 ss:$0x81] =	vst.msk $0xffff, v3  }
.LBB1_3:
0x3f: {  	v3 =	vld [tilespmem:s21+$0x10];
	p1 =	sne.s32 s20, $0x1FC;
	[tilespmem:s18+$0x810 ss:$0x81] =	vst.msk $0xffff, v2;
	s22 =	smov.u32 s20;
	s20 =	sadd.s32 $0x4, s20  }
.Ltmp3:
0x40: {  	v2 =	vld [tilespmem:s21+$0xFFFFFFF0];
	[tilespmem:s18+$0x1020 ss:$0x81] =	vst.msk $0xffff, v0;
	(pc) =	sbr.rel @p1 .LBB1_3-.Ltmp3, $4  }
0x41: {  	v0 =	vld [tilespmem:s21+$0x0];
	[tilespmem:s18+$0x0 ss:$0x81] =	vst.msk $0xffff, v1  }
0x42: {  	s18 =	sshra.s32 s22, $0x2;
	v1 =	vld [tilespmem:s21+$0xFFFFFFE0]  }
0x43: {  	s18 =	sadd.s32 s18, s19  }
0x44: {  	s21 =	sadd.s32 $0x40, s21;
	[tilespmem:s18+$0x1830 ss:$0x81] =	vst.msk $0xffff, v3  }
0x45: {  	s19 =	sshrl.u32 s9, $0x5  }
0x46: {  	p1 =	sgt.s32 s10, $0x1F;
	s20 =	smov.u32 s10;
	s21 =	sshra.s32 s10, $0x1F  }
0x47: {  	s23 =	sshra.s32 s9, $0x1F;
	p2 =	sgt.s32 s7, $0x37;
	s25 =	smul.u32 $0x18800, s10  }
0x48: {  	s31 =	sshra.s32 s7, $0x1F;
	s26 =	smul.u32 $0x700, s7;
	s27 =	sshrl.u32 s9, $0x3  }
0x49: {  	s28 =	sand.u32 $0x7, s9;
	s19 =	sand.u32 $0xFFFFFC, s19;
	s20 =	simm.s32 @!p1 $0x1F  }
0x4a: {  	s21 =	sand.u32 s21, s10;
	p1 =	sgt.s32 s9, $0x80;
	s23 =	sand.u32 s23, s9  }
0x4b: {  	s22 =	smulhi.u32 $0x4924925, s19;
	s20 =	ssub.s32 s20, s21;
	s21 =	smov.u32 s9  }
0x4c: {  	s24 =	sadd.s32 $0xFFFFFFE1, s20;
	s21 =	simm.s32 @!p1 $0x80;
	s20 =	ssub.s32 $0x20, s20  }
0x4d: {  	p1 =	sgt.s32 s24, $0x0;
	s21 =	ssub.s32 s21, s23;
	s20 =	smul.u32 $0x38, s20  }
0x4e: {  	s24 =	smov.u32 s7;
	s22 =	smul.u32 $0x38, s22;
	s23 =	sadd.s32 $0xFFFFFF80, s21  }
0x4f: {  	s24 =	simm.s32 @!p2 $0x37;
	p2 =	sgt.s32 s23, $0x7F;
	s23 =	sand.u32 s31, s7  }
0x50: {  	s21 =	ssub.s32 $0x100, s21;
	s20 =	simm.s32 @p1 $0x0;
	s23 =	ssub.s32 s24, s23  }
0x51: {  	s19 =	ssub.s32 s19, s22;
	s21 =	simm.s32 @p2 $0x0;
	s24 =	sadd.s32 $0xFFFFFFC9, s23  }
0x52: {  	s20 =	smul.u32 s21, s20;
	s21 =	ssub.s32 $0x38, s23;
	p1 =	sgt.s32 s24, $0x0  }
.Ltmp4:
0x53: {  	s23 =	sadd.s32 s2, s25;
	s21 =	simm.s32 @p1 $0x0;
	(pc) =	sbr.rel .LBB1_5-.Ltmp4, $4  }
0x54: {  	[tilespmem:s18+$0x810 ss:$0x81] =	vst.msk $0xffff, v2;
	s22 =	sadd.s32 s26, s23;
	s20 =	smul.u32 s21, s20;
	s21 =	sand.u32 $0xF, s27  }
0x55: {  	[tilespmem:s18+$0x1020 ss:$0x81] =	vst.msk $0xffff, v0;
	s29 =	sshll.u32 s28, $0x12;
	s19 =	sshll.u32 s19, $0x5;
	s21 =	sadd.s32 s21, s22  }
0x56: {  	[tilespmem:s18+$0x0 ss:$0x81] =	vst.msk $0xffff, v1;
	s31 =	sor.u32 $0x400, s29;
	s30 =	sand.u32 $0x3FFFFFF8, s20;
	s19 =	sadd.s32 s19, s21  }
0x57: {  	[hbm4b:s19+s31] =	stream.strided.scatter [tilespmem:s17], [sflag:$0x2], s30, s6, s31, $0x20;
	[tilespmem:$0x8080] =	vst v63  }
.LBB1_6:
0x58: {  	_ =	sfence.sel $0x180000  }
0x59: {  	s2 =	simm.s32 $0x1;
	[bflag:$0x0] =	sbarrier.arrive $0xFFFF  }
0x5a: {  	s31 =	simm.s32 $0x2;
	[sflag:s2] =	ssyncpa.u1 $0x1  }
0x5b: {  	[sflag:s31] =	ssyncpa.u1 $0x1  }
0x5c: {  	p0 =	sne.s32 s1, $0x0;
	_ =	strace $0x90000047  }
0x5d: {  	s0 =	sadd.s32 @!p0 $0x100000, s0;
	[bflag:$0x2] =	sbarrier.arrive $0xFFFF  }
0x5e: {  	[sflag:s0] =	ssyncadd.tile.s32 @!p0 $0x1;
	_ =	shalt  }
.Lfunc_end1:
_tile_overlayer_lowered:
.L_overlay_start_2:
0x5f: {  	(tag) =	ssettag $0x2  }
0x60: {  	s0 =	rddreg [dreg:$0x0];
	s2 =	stileid.u32  }
0x61: {  	s1 =	rddreg [dreg:$0x1];
	p0 =	sne.s32 s2, $0x0  }
0x62: {  	s3 =	rddreg [dreg:$0x2];
	[bflag:$0x3] =	sbarrier.arrive $0xFFFF;
	s2 =	simm.s32 @!p0 $0x1C01  }
0x63: {  	[timem:s3], [sflag:s2] =	dma.local @!p0 [hbm:s0], s1  }
0x64: {  	s0 =	simm.s32 @!p0 $0x1  }
0x65: {  	_ =	swait.ge @!p0 [sflag:s0], s1  }
0x66: {  	s1 =	ssub.s32 @!p0 $0x0, s1;
	[sflag:s0] =	ssyncset.done @!p0 $0x0  }
0x67: {  	[sflag:s0] =	ssyncadd.s32 @!p0 s1  }
0x68: {  	[bflag:$0x3] =	sbarrier.arrive $0xFFFF  }
0x69: {  	_ =	shalt  }

</sc_bundles>
